<compile_context>
chip_gen: v7x
topology: tpu7x:2x2x1
jax: 0.10.2.dev20260603
libtpu: 0.0.44.dev20260713+nightly
codegen_flags: <defaults>
</compile_context>

<pallas_src>
import functools

import jax
import jax.numpy as jnp
from jax import lax
from jax.experimental import pallas as pl
from jax.experimental.pallas import tpu as pltpu
from jax.experimental.pallas import tpu_sc as plsc

_EPS = 1e-5
_K = 16

_HI = jax.lax.Precision.HIGHEST


def _mm(a, b):
    return jnp.dot(a, b, precision=_HI, preferred_element_type=jnp.float32)


def _mm_ct(a, b):
    return jax.lax.dot_general(a, b, (((1,), (1,)), ((), ())),
                               precision=_HI,
                               preferred_element_type=jnp.float32)


def _mmb(a, b):
    return jnp.dot(a.astype(jnp.bfloat16), b.astype(jnp.bfloat16),
                   preferred_element_type=jnp.float32)


def _mmb_ct(a, b):
    return jax.lax.dot_general(a.astype(jnp.bfloat16), b.astype(jnp.bfloat16),
                               (((1,), (1,)), ((), ())),
                               preferred_element_type=jnp.float32)



def _knn_kernel(pos_ref, posT_ref, idx_ref, *, R, N):
    b = pl.program_id(0)
    r = pl.program_id(1)
    pos = pos_ref[0]
    prow = posT_ref[0, pl.ds(r * R, R), :]
    d2 = ((prow[:, 0:1] - pos[0:1, :]) ** 2
          + (prow[:, 1:2] - pos[1:2, :]) ** 2) \
        + (prow[:, 2:3] - pos[2:3, :]) ** 2
    iota = jax.lax.broadcasted_iota(jnp.int32, (R, N), 1)
    off = b * N
    for t in range(_K):
        m = jnp.min(d2, axis=1, keepdims=True)
        cand = jnp.where(d2 == m, iota, N)
        idxj = jnp.min(cand, axis=1, keepdims=True)
        idx_ref[:, pl.ds(t, 1)] = idxj + off
        if t != _K - 1:
            d2 = jnp.where(cand == idxj, jnp.inf, d2)


def _knn(pos):
    B, _, N = pos.shape
    R = 512
    posT = jnp.swapaxes(pos, 1, 2)
    grid = (B, N // R)
    return pl.pallas_call(
        lambda a, b, o: _knn_kernel(a, b, o, R=R, N=N),
        grid=grid,
        in_specs=[
            pl.BlockSpec((1, 3, N), lambda b, r: (b, 0, 0)),
            pl.BlockSpec((1, N, 3), lambda b, r: (b, 0, 0)),
        ],
        out_specs=pl.BlockSpec((R, _K), lambda b, r: (b * (N // R) + r, 0)),
        out_shape=jax.ShapeDtypeStruct((B * N, _K), jnp.int32),
    )(pos, posT)



def _sc_gather(tabflat, idxf, BN):
    rows = idxf.shape[0]
    info = plsc.get_sparse_core_info()
    nw = info.num_cores * info.num_subcores
    L = info.num_lanes
    per_w = rows // nw
    mesh = plsc.VectorSubcoreMesh(core_axis_name="c", subcore_axis_name="s")

    plane = jax.ShapeDtypeStruct((rows,), jnp.float32)

    @functools.partial(
        pl.kernel, mesh=mesh,
        out_type=[plane, plane, plane],
        compiler_params=pltpu.CompilerParams(needs_layout_passes=False),
        scratch_types=[
            pltpu.VMEM((3 * BN,), jnp.float32),
            pltpu.VMEM((per_w,), jnp.int32),
            pltpu.VMEM((per_w,), jnp.float32),
            pltpu.VMEM((per_w,), jnp.float32),
            pltpu.VMEM((per_w,), jnp.float32),
        ],
    )
    def k(tab_hbm, idx_hbm, ox_hbm, oy_hbm, oz_hbm, tab_v, idx_v,
          ox_v, oy_v, oz_v):
        wid = lax.axis_index("s") * info.num_cores + lax.axis_index("c")
        base = wid * per_w
        pltpu.sync_copy(tab_hbm, tab_v)
        pltpu.sync_copy(idx_hbm.at[pl.ds(base, per_w)], idx_v)

        def body(j, carry):
            iv = idx_v[pl.ds(j * L, L)]
            ox_v[pl.ds(j * L, L)] = plsc.load_gather(tab_v, [iv])
            oy_v[pl.ds(j * L, L)] = plsc.load_gather(tab_v, [iv + BN])
            oz_v[pl.ds(j * L, L)] = plsc.load_gather(tab_v, [iv + 2 * BN])
            return carry

        lax.fori_loop(0, per_w // L, body, 0)
        pltpu.sync_copy(ox_v, ox_hbm.at[pl.ds(base, per_w)])
        pltpu.sync_copy(oy_v, oy_hbm.at[pl.ds(base, per_w)])
        pltpu.sync_copy(oz_v, oz_hbm.at[pl.ds(base, per_w)])

    return k(tabflat, idxf)



def _c1_kernel(px_ref, py_ref, pz_ref, Wq_ref, bq_ref, Wp1_ref, bp1_ref,
               gp_ref, betap_ref, s1_ref, h1_ref, *, Npix):
    pf = jnp.concatenate([px_ref[...].reshape(1, -1),
                          py_ref[...].reshape(1, -1),
                          pz_ref[...].reshape(1, -1)], axis=0)
    Wq = Wq_ref[...]
    bq = bq_ref[...]
    Wp1 = Wp1_ref[...]
    bp1 = bp1_ref[...]
    mp = jnp.sum(pf, axis=1, keepdims=True)
    Sp = _mm_ct(pf, pf)
    mq = _mm(Wq, mp) + Npix * bq
    A1 = _mm(Wq, Sp)
    Sq = _mm_ct(A1, Wq)
    Wqmp = _mm(Wq, mp)
    Sq = Sq + Wqmp * bq.T + bq * Wqmp.T + Npix * (bq * bq.T)
    mu = _mm(Wp1, mq) / Npix + bp1
    D1 = _mm(Wp1, Sq)
    diag = jnp.sum(D1 * Wp1, axis=1, keepdims=True) / Npix
    Et2 = diag + 2.0 * bp1 * (_mm(Wp1, _mm(Wq, mp)) / Npix) + bp1 * bp1
    var = Et2 - mu * mu
    s1 = gp_ref[...] / jnp.sqrt(var + _EPS)
    h1_ref[...] = betap_ref[...] - mu * s1
    s1_ref[...] = s1


def _c1(px, py, pz, Wq, bq, Wp1, bp1, gp, betap):
    Npix = px.shape[0]
    ph = Wp1.shape[0]
    dim = Wq.shape[0]
    return pl.pallas_call(
        lambda *a: _c1_kernel(*a, Npix=float(Npix)),
        in_specs=[pl.BlockSpec((Npix,), lambda: (0,)),
                  pl.BlockSpec((Npix,), lambda: (0,)),
                  pl.BlockSpec((Npix,), lambda: (0,)),
                  pl.BlockSpec((dim, 3), lambda: (0, 0)),
                  pl.BlockSpec((dim, 1), lambda: (0, 0)),
                  pl.BlockSpec((ph, dim), lambda: (0, 0)),
                  pl.BlockSpec((ph, 1), lambda: (0, 0)),
                  pl.BlockSpec((ph, 1), lambda: (0, 0)),
                  pl.BlockSpec((ph, 1), lambda: (0, 0))],
        out_specs=[pl.BlockSpec((ph, 1), lambda: (0, 0)),
                   pl.BlockSpec((ph, 1), lambda: (0, 0))],
        out_shape=[jax.ShapeDtypeStruct((ph, 1), jnp.float32),
                   jax.ShapeDtypeStruct((ph, 1), jnp.float32)],
    )(px, py, pz, Wq, bq, Wp1, bp1, gp, betap)



def _b_kernel(px_ref, py_ref, pz_ref, key_ref, Wq_ref, bq_ref, M1_ref,
              c1_ref, Wk_ref, bk_ref, s1_ref, h1_ref, Wp2_ref, bp2_ref,
              x_ref, pe_ref, S2_ref, m2_ref):
    b = pl.program_id(0)
    i = pl.program_id(1)
    pf = jnp.concatenate([px_ref[...].reshape(1, -1),
                          py_ref[...].reshape(1, -1),
                          pz_ref[...].reshape(1, -1)], axis=0)
    q = _mm(Wq_ref[...], pf) + bq_ref[...]
    t = _mm(M1_ref[...], pf) + c1_ref[...]
    h = jnp.maximum(t * s1_ref[...] + h1_ref[...], 0.0)
    pe = _mmb(Wp2_ref[...], h) + bp2_ref[...]
    k_ = _mmb(Wk_ref[...], key_ref[0]) + bk_ref[...]
    x = (q - k_) * pe + pe
    x_ref[0] = x.astype(jnp.bfloat16)
    pe_ref[0] = pe.astype(jnp.bfloat16)

    @pl.when(jnp.logical_and(b == 0, i == 0))
    def _():
        S2_ref[...] = jnp.zeros_like(S2_ref)
        m2_ref[...] = jnp.zeros_like(m2_ref)

    S2_ref[...] += _mmb_ct(x, x)
    m2_ref[...] += jnp.sum(x, axis=1, keepdims=True)


def _b_stage(px, py, pz, keyr, Wq, bq, M1, c1, Wk, bk, s1, h1, Wp2, bp2):
    B, C, Ptot = keyr.shape
    dim = Wk.shape[0]
    ph = M1.shape[0]
    P = 4096
    nb = Ptot // P
    grid = (B, nb)
    full = lambda shp: pl.BlockSpec(shp, lambda b, i: tuple(0 for _ in shp))
    return pl.pallas_call(
        _b_kernel,
        grid=grid,
        in_specs=[
            pl.BlockSpec((P,), lambda b, i: (b * nb + i,)),
            pl.BlockSpec((P,), lambda b, i: (b * nb + i,)),
            pl.BlockSpec((P,), lambda b, i: (b * nb + i,)),
            pl.BlockSpec((1, C, P), lambda b, i: (b, 0, i)),
            full((dim, 3)), full((dim, 1)),
            full((ph, 3)), full((ph, 1)),
            full((dim, C)), full((dim, 1)),
            full((ph, 1)), full((ph, 1)),
            full((dim, ph)), full((dim, 1)),
        ],
        out_specs=[
            pl.BlockSpec((1, dim, P), lambda b, i: (b, 0, i)),
            pl.BlockSpec((1, dim, P), lambda b, i: (b, 0, i)),
            pl.BlockSpec((dim, dim), lambda b, i: (0, 0)),
            pl.BlockSpec((dim, 1), lambda b, i: (0, 0)),
        ],
        out_shape=[
            jax.ShapeDtypeStruct((B, dim, Ptot), jnp.bfloat16),
            jax.ShapeDtypeStruct((B, dim, Ptot), jnp.bfloat16),
            jax.ShapeDtypeStruct((dim, dim), jnp.float32),
            jax.ShapeDtypeStruct((dim, 1), jnp.float32),
        ],
    )(px, py, pz, keyr, Wq, bq, M1, c1, Wk, bk, s1, h1, Wp2, bp2)



def _c2_kernel(S2_ref, m2_ref, Wa1_ref, ba1_ref, ga_ref, betaa_ref,
               s2_ref, h2_ref, *, Npix):
    Wa1 = Wa1_ref[...]
    ba1 = ba1_ref[...]
    m2 = m2_ref[...]
    Wm = _mm(Wa1, m2)
    mu = Wm / Npix + ba1
    D1 = _mm(Wa1, S2_ref[...])
    diag = jnp.sum(D1 * Wa1, axis=1, keepdims=True) / Npix
    Ea2 = diag + 2.0 * ba1 * (Wm / Npix) + ba1 * ba1
    var = Ea2 - mu * mu
    s2 = ga_ref[...] / jnp.sqrt(var + _EPS)
    h2_ref[...] = betaa_ref[...] - mu * s2
    s2_ref[...] = s2


def _c2(S2, m2, Wa1, ba1, ga, betaa, Npix):
    dh, dim = Wa1.shape
    return pl.pallas_call(
        lambda *a: _c2_kernel(*a, Npix=float(Npix)),
        in_specs=[pl.BlockSpec((dim, dim), lambda: (0, 0)),
                  pl.BlockSpec((dim, 1), lambda: (0, 0)),
                  pl.BlockSpec((dh, dim), lambda: (0, 0)),
                  pl.BlockSpec((dh, 1), lambda: (0, 0)),
                  pl.BlockSpec((dh, 1), lambda: (0, 0)),
                  pl.BlockSpec((dh, 1), lambda: (0, 0))],
        out_specs=[pl.BlockSpec((dh, 1), lambda: (0, 0)),
                   pl.BlockSpec((dh, 1), lambda: (0, 0))],
        out_shape=[jax.ShapeDtypeStruct((dh, 1), jnp.float32),
                   jax.ShapeDtypeStruct((dh, 1), jnp.float32)],
    )(S2, m2, Wa1, ba1, ga, betaa)



def _d_kernel(x_ref, pe_ref, val_ref, Wa1_ref, ba1_ref, s2_ref, h2_ref,
              Wa2_ref, ba2_ref, Wv_ref, bv_ref, We_ref, be_ref, y_ref, *, P):
    x = x_ref[0]
    a = _mmb(Wa1_ref[...], x) + ba1_ref[...]
    h = jnp.maximum(a * s2_ref[...] + h2_ref[...], 0.0)
    ap = _mmb(Wa2_ref[...], h) + ba2_ref[...]
    E = jnp.exp(ap)
    v = _mmb(Wv_ref[...], val_ref[0]) + bv_ref[...] + pe_ref[0]
    G = (jax.lax.broadcasted_iota(jnp.int32, (P, P // _K), 0) // _K
         == jax.lax.broadcasted_iota(jnp.int32, (P, P // _K), 1)
         ).astype(jnp.bfloat16)
    numer = _mmb(E * v, G)
    denom = _mmb(E, G)
    agg = numer / denom
    y_ref[0] = _mm(We_ref[...], agg) + be_ref[...]


def _d_stage(x, pe, valr, Wa1, ba1, s2, h2, Wa2, ba2, Wv, bv, We, be):
    B, dim, Ptot = x.shape
    C = valr.shape[1]
    dh = Wa1.shape[0]
    P = 4096
    grid = (B, Ptot // P)
    full = lambda shp: pl.BlockSpec(shp, lambda b, i: tuple(0 for _ in shp))
    return pl.pallas_call(
        lambda *a: _d_kernel(*a, P=P),
        grid=grid,
        in_specs=[
            pl.BlockSpec((1, dim, P), lambda b, i: (b, 0, i)),
            pl.BlockSpec((1, dim, P), lambda b, i: (b, 0, i)),
            pl.BlockSpec((1, C, P), lambda b, i: (b, 0, i)),
            full((dh, dim)), full((dh, 1)), full((dh, 1)), full((dh, 1)),
            full((dim, dh)), full((dim, 1)),
            full((dim, C)), full((dim, 1)),
            full((dim, dim)), full((dim, 1)),
        ],
        out_specs=pl.BlockSpec((1, dim, P // _K), lambda b, i: (b, 0, i)),
        out_shape=jax.ShapeDtypeStruct((B, dim, Ptot // _K), jnp.float32),
    )(x, pe, valr, Wa1, ba1, s2, h2, Wa2, ba2, Wv, bv, We, be)


def kernel(key, values, pos, Wk, bk, Wq, bq, Wv, bv, Wp1, bp1, gp, betap,
           Wp2, bp2, Wa1, ba1, ga, betaa, Wa2, ba2, We, be):
    B, C, n, k = key.shape
    col = lambda v: v.reshape(-1, 1)

    idx = _knn(pos)
    tabflat = jnp.moveaxis(pos, 0, 1).reshape(3 * B * n)
    px, py, pz = _sc_gather(tabflat, idx.reshape(-1), B * n)

    M1 = _mm(Wp1, Wq)
    c1v = col(_mm(Wp1, bq.reshape(-1, 1))[:, 0] + bp1)

    s1, h1 = _c1(px, py, pz, Wq, col(bq), Wp1, col(bp1), col(gp), col(betap))

    keyr = key.reshape(B, C, n * k)
    valr = values.reshape(B, C, n * k)

    x, pe, S2, m2 = _b_stage(px, py, pz, keyr, Wq, col(bq), M1, c1v,
                             Wk, col(bk), s1, h1, Wp2, col(bp2))

    s2, h2 = _c2(S2, m2, Wa1, col(ba1), col(ga), col(betaa), B * n * k)

    y = _d_stage(x, pe, valr, Wa1, col(ba1), s2, h2, Wa2, col(ba2),
                 Wv, col(bv), We, col(be))
    return y

# --- scband reference (transcript-rebuilt; emitter-appended) ---
"""Pipeline reference for scband-attention-87101936763056 (READ-ONLY COPY).

The authoritative reference and input builder live on the scoring server;
editing this copy changes nothing except your own understanding.
"""

import jax, jax.numpy as jnp
import numpy as np

N_KNN = 16

def conv1x1(W, b, x):
    # x: (B, C, n, k) ; W: (O, C) ; 1x1 Conv2d
    return jnp.einsum('oc,bcnk->bonk', W, x) + b[None, :, None, None]

def batchnorm2d(x, gamma, beta, eps=1e-5):
    # training-mode BatchNorm2d: batch statistics over (B, n, k) per channel
    mean = x.mean(axis=(0, 2, 3), keepdims=True)
    var = x.var(axis=(0, 2, 3), keepdims=True)
    xh = (x - mean) / jnp.sqrt(var + eps)
    return xh * gamma[None, :, None, None] + beta[None, :, None, None]

def setup_inputs(seed=0) -> dict:
    key0 = jax.random.key(seed)
    ks = jax.random.split(key0, 16)
    B, C, n, k_nn = 2, 128, 2048, 16
    dim, ph, hm = 256, 64, 4
    def w(i, shape, scale=0.05):
        return jax.random.normal(ks[i], shape, dtype=jnp.float32) * scale
    return {
        'key': jax.random.normal(ks[0], (B, C, n, k_nn), dtype=jnp.float32),
        'values': jax.random.normal(ks[1], (B, C, n, k_nn), dtype=jnp.float32),
        'pos': jax.random.normal(ks[2], (B, 3, n), dtype=jnp.float32),
        'Wk': w(3, (dim, C)), 'bk': jnp.zeros((dim,), jnp.float32),
        'Wq': w(4, (dim, 3)), 'bq': jnp.zeros((dim,), jnp.float32),
        'Wv': w(5, (dim, C)), 'bv': jnp.zeros((dim,), jnp.float32),
        'Wp1': w(6, (ph, dim)), 'bp1': jnp.zeros((ph,), jnp.float32),
        'gp': jnp.ones((ph,), jnp.float32), 'betap': jnp.zeros((ph,), jnp.float32),
        'Wp2': w(7, (dim, ph)), 'bp2': jnp.zeros((dim,), jnp.float32),
        'Wa1': w(8, (dim * hm, dim)), 'ba1': jnp.zeros((dim * hm,), jnp.float32),
        'ga': jnp.ones((dim * hm,), jnp.float32), 'betaa': jnp.zeros((dim * hm,), jnp.float32),
        'Wa2': w(9, (dim, dim * hm)), 'ba2': jnp.zeros((dim,), jnp.float32),
        'We': w(10, (dim, dim)), 'be': jnp.zeros((dim,), jnp.float32),
    }

def reference(key, values, pos, Wk, bk, Wq, bq, Wv, bv, Wp1, bp1, gp, betap, Wp2, bp2, Wa1, ba1, ga, betaa, Wa2, ba2, We, be):
    # KNN: pairwise squared distances between points, take n_knn nearest (self included)
    d2 = jnp.sum((pos[:, :, :, None] - pos[:, :, None, :]) ** 2, axis=1)  # (B, n, n)
    _, idx = jax.lax.top_k(-d2, N_KNN)  # (B, n, k)
    # grouping_operation: gather neighbor positions -> (B, 3, n, k)
    pos_flipped = jax.vmap(lambda p, i: p[:, i])(pos, idx)
    k_ = conv1x1(Wk, bk, key)
    v_ = conv1x1(Wv, bv, values)
    q_ = conv1x1(Wq, bq, pos_flipped)
    qk_rel = q_ - k_
    pos_embedding = conv1x1(Wp2, bp2, jax.nn.relu(batchnorm2d(conv1x1(Wp1, bp1, q_), gp, betap)))
    attention = conv1x1(Wa2, ba2, jax.nn.relu(batchnorm2d(conv1x1(Wa1, ba1, qk_rel * pos_embedding + pos_embedding), ga, betaa)))
    attention = jax.nn.softmax(attention, axis=-1)
    v_ = v_ + pos_embedding
    agg = jnp.sum(attention * v_, axis=-1)  # (B, dim, n)  == einsum('bcij,bcij->bci')
    y = jnp.einsum('oc,bcn->bon', We, agg) + be[None, :, None]
    return y

if __name__ == "__main__":
    import jax
    _d = setup_inputs()
    print(jax.jit(kernel)(*tuple(_d.values())))

</pallas_src>

<mosaic_0001>
#map = affine_map<(d0, d1) -> (0)>
module attributes {stable_mosaic.version = 14 : i64} {
  func.func @k(%arg0: i32, %arg1: i32, %arg2: memref<12288xf32, #tpu.memory_space<hbm>>, %arg3: memref<65536xi32, #tpu.memory_space<hbm>>, %arg4: memref<65536xf32, #tpu.memory_space<hbm>>, %arg5: memref<65536xf32, #tpu.memory_space<hbm>>, %arg6: memref<65536xf32, #tpu.memory_space<hbm>>, %arg7: memref<12288xf32, #tpu.memory_space<vmem>>, %arg8: memref<2048xi32, #tpu.memory_space<vmem>>, %arg9: memref<2048xf32, #tpu.memory_space<vmem>>, %arg10: memref<2048xf32, #tpu.memory_space<vmem>>, %arg11: memref<2048xf32, #tpu.memory_space<vmem>>) attributes {dimension_semantics = [#tpu.dimension_semantics<core_parallel>, #tpu.dimension_semantics<subcore_parallel>], iteration_bounds = array<i64: 2, 16>, scalar_prefetch = 0 : i64, scratch_operands = 5 : i64, tpu.core_type = #tpu.core_type<sc_vector_subcore>, window_params = [{transform_indices = #map}, {transform_indices = #map}, {transform_indices = #map}, {transform_indices = #map}, {transform_indices = #map}]} {
    %mul3A = arith.constant 2 : i32
    %mul3A_0 = arith.muli %arg1, %mul3A : i32
    %add3A = arith.addi %mul3A_0, %arg0 : i32
    %mul3A_1 = arith.constant 2048 : i32
    %mul3A_2 = arith.muli %add3A, %mul3A_1 : i32
    "tpu.region"() ({
      %run_scoped3A = tpu.sem_alloc : memref<!tpu.dma_semaphore, #tpu.memory_space<semaphore_mem>>
      tpu.enqueue_dma source(%arg2 : memref<12288xf32, #tpu.memory_space<hbm>>) target(%arg7 : memref<12288xf32, #tpu.memory_space<vmem>>) target_semaphore(%run_scoped3A : memref<!tpu.dma_semaphore, #tpu.memory_space<semaphore_mem>>)
      tpu.wait_dma2 semaphore(%run_scoped3A : memref<!tpu.dma_semaphore, #tpu.memory_space<semaphore_mem>>) src(%arg2 : memref<12288xf32, #tpu.memory_space<hbm>>) dst(%arg7 : memref<12288xf32, #tpu.memory_space<vmem>>)
      tpu.yield
    }) : () -> ()
    "tpu.region"() ({
      %run_scoped3A = tpu.sem_alloc : memref<!tpu.dma_semaphore, #tpu.memory_space<semaphore_mem>>
      %dma_start3A = tpu.memref_slice %arg3[%mul3A_2] : memref<65536xi32, #tpu.memory_space<hbm>> -> memref<2048xi32, #tpu.memory_space<hbm>>
      %dma_start3A_8 = tpu.memref_slice %arg3[%mul3A_2] : memref<65536xi32, #tpu.memory_space<hbm>> -> memref<2048xi32, #tpu.memory_space<hbm>>
      tpu.enqueue_dma source(%dma_start3A_8 : memref<2048xi32, #tpu.memory_space<hbm>>) target(%arg8 : memref<2048xi32, #tpu.memory_space<vmem>>) target_semaphore(%run_scoped3A : memref<!tpu.dma_semaphore, #tpu.memory_space<semaphore_mem>>)
      %dma_wait3A = tpu.memref_slice %arg3[%mul3A_2] : memref<65536xi32, #tpu.memory_space<hbm>> -> memref<2048xi32, #tpu.memory_space<hbm>>
      %dma_wait3A_9 = tpu.memref_slice %arg3[%mul3A_2] : memref<65536xi32, #tpu.memory_space<hbm>> -> memref<2048xi32, #tpu.memory_space<hbm>>
      tpu.wait_dma2 semaphore(%run_scoped3A : memref<!tpu.dma_semaphore, #tpu.memory_space<semaphore_mem>>) src(%dma_wait3A_9 : memref<2048xi32, #tpu.memory_space<hbm>>) dst(%arg8 : memref<2048xi32, #tpu.memory_space<vmem>>)
      tpu.yield
    }) : () -> ()
    %scan3A = arith.constant 0 : i32
    %scan3A_3 = arith.constant 0 : i32
    %scan3A_4 = arith.constant 128 : i32
    %scan3A_5 = arith.addi %scan3A_3, %scan3A_4 : i32
    %scan3A_6 = arith.constant 1 : i32
    scf.for %scan3A_8 = %scan3A_3 to %scan3A_5 step %scan3A_6  : i32 {
      %mul3A_9 = arith.constant 16 : i32
      %mul3A_10 = arith.muli %scan3A_8, %mul3A_9 : i32
      %get3A = arith.index_cast %mul3A_10 : i32 to index
      %get3A_11 = tpu.vector_load %arg8[%get3A] {strides = array<i32>} : memref<2048xi32, #tpu.memory_space<vmem>>, vector<16xi32>,
      %gather3A = tpu.vector_load_idx %arg7[%get3A_11] : memref<12288xf32, #tpu.memory_space<vmem>>[vector<16xi32>], vector<16xf32>,
      %mul3A_12 = arith.constant 16 : i32
      %mul3A_13 = arith.muli %scan3A_8, %mul3A_12 : i32
      %swap3A = arith.index_cast %mul3A_13 : i32 to index
      %swap3A_14 = tpu.vector_load %arg9[%swap3A] {strides = array<i32>} : memref<2048xf32, #tpu.memory_space<vmem>>, vector<16xf32>,
      tpu.vector_store %arg9[%swap3A], %gather3A {strides = array<i32>} : memref<2048xf32, #tpu.memory_space<vmem>>, vector<16xf32>,
      %add3A_15 = arith.constant 4096 : i32
      %add3A_16 = vector.broadcast %add3A_15 : i32 to vector<16xi32>
      %add3A_17 = arith.addi %get3A_11, %add3A_16 : vector<16xi32>
      %gather3A_18 = tpu.vector_load_idx %arg7[%add3A_17] : memref<12288xf32, #tpu.memory_space<vmem>>[vector<16xi32>], vector<16xf32>,
      %mul3A_19 = arith.constant 16 : i32
      %mul3A_20 = arith.muli %scan3A_8, %mul3A_19 : i32
      %swap3A_21 = arith.index_cast %mul3A_20 : i32 to index
      %swap3A_22 = tpu.vector_load %arg10[%swap3A_21] {strides = array<i32>} : memref<2048xf32, #tpu.memory_space<vmem>>, vector<16xf32>,
      tpu.vector_store %arg10[%swap3A_21], %gather3A_18 {strides = array<i32>} : memref<2048xf32, #tpu.memory_space<vmem>>, vector<16xf32>,
      %add3A_23 = arith.constant 8192 : i32
      %add3A_24 = vector.broadcast %add3A_23 : i32 to vector<16xi32>
      %add3A_25 = arith.addi %get3A_11, %add3A_24 : vector<16xi32>
      %gather3A_26 = tpu.vector_load_idx %arg7[%add3A_25] : memref<12288xf32, #tpu.memory_space<vmem>>[vector<16xi32>], vector<16xf32>,
      %mul3A_27 = arith.constant 16 : i32
      %mul3A_28 = arith.muli %scan3A_8, %mul3A_27 : i32
      %swap3A_29 = arith.index_cast %mul3A_28 : i32 to index
      %swap3A_30 = tpu.vector_load %arg11[%swap3A_29] {strides = array<i32>} : memref<2048xf32, #tpu.memory_space<vmem>>, vector<16xf32>,
      tpu.vector_store %arg11[%swap3A_29], %gather3A_26 {strides = array<i32>} : memref<2048xf32, #tpu.memory_space<vmem>>, vector<16xf32>,
    }
    %scan3A_7 = arith.constant 128 : i32
    "tpu.region"() ({
      %run_scoped3A = tpu.sem_alloc : memref<!tpu.dma_semaphore, #tpu.memory_space<semaphore_mem>>
      %dma_start3A = tpu.memref_slice %arg4[%mul3A_2] : memref<65536xf32, #tpu.memory_space<hbm>> -> memref<2048xf32, #tpu.memory_space<hbm>>
      %dma_start3A_8 = tpu.memref_slice %arg4[%mul3A_2] : memref<65536xf32, #tpu.memory_space<hbm>> -> memref<2048xf32, #tpu.memory_space<hbm>>
      tpu.enqueue_dma source(%arg9 : memref<2048xf32, #tpu.memory_space<vmem>>) target(%dma_start3A_8 : memref<2048xf32, #tpu.memory_space<hbm>>) target_semaphore(%run_scoped3A : memref<!tpu.dma_semaphore, #tpu.memory_space<semaphore_mem>>)
      %dma_wait3A = tpu.memref_slice %arg4[%mul3A_2] : memref<65536xf32, #tpu.memory_space<hbm>> -> memref<2048xf32, #tpu.memory_space<hbm>>
      %dma_wait3A_9 = tpu.memref_slice %arg4[%mul3A_2] : memref<65536xf32, #tpu.memory_space<hbm>> -> memref<2048xf32, #tpu.memory_space<hbm>>
      tpu.wait_dma2 semaphore(%run_scoped3A : memref<!tpu.dma_semaphore, #tpu.memory_space<semaphore_mem>>) src(%arg9 : memref<2048xf32, #tpu.memory_space<vmem>>) dst(%dma_wait3A_9 : memref<2048xf32, #tpu.memory_space<hbm>>)
      tpu.yield
    }) : () -> ()
    "tpu.region"() ({
      %run_scoped3A = tpu.sem_alloc : memref<!tpu.dma_semaphore, #tpu.memory_space<semaphore_mem>>
      %dma_start3A = tpu.memref_slice %arg5[%mul3A_2] : memref<65536xf32, #tpu.memory_space<hbm>> -> memref<2048xf32, #tpu.memory_space<hbm>>
      %dma_start3A_8 = tpu.memref_slice %arg5[%mul3A_2] : memref<65536xf32, #tpu.memory_space<hbm>> -> memref<2048xf32, #tpu.memory_space<hbm>>
      tpu.enqueue_dma source(%arg10 : memref<2048xf32, #tpu.memory_space<vmem>>) target(%dma_start3A_8 : memref<2048xf32, #tpu.memory_space<hbm>>) target_semaphore(%run_scoped3A : memref<!tpu.dma_semaphore, #tpu.memory_space<semaphore_mem>>)
      %dma_wait3A = tpu.memref_slice %arg5[%mul3A_2] : memref<65536xf32, #tpu.memory_space<hbm>> -> memref<2048xf32, #tpu.memory_space<hbm>>
      %dma_wait3A_9 = tpu.memref_slice %arg5[%mul3A_2] : memref<65536xf32, #tpu.memory_space<hbm>> -> memref<2048xf32, #tpu.memory_space<hbm>>
      tpu.wait_dma2 semaphore(%run_scoped3A : memref<!tpu.dma_semaphore, #tpu.memory_space<semaphore_mem>>) src(%arg10 : memref<2048xf32, #tpu.memory_space<vmem>>) dst(%dma_wait3A_9 : memref<2048xf32, #tpu.memory_space<hbm>>)
      tpu.yield
    }) : () -> ()
    "tpu.region"() ({
      %run_scoped3A = tpu.sem_alloc : memref<!tpu.dma_semaphore, #tpu.memory_space<semaphore_mem>>
      %dma_start3A = tpu.memref_slice %arg6[%mul3A_2] : memref<65536xf32, #tpu.memory_space<hbm>> -> memref<2048xf32, #tpu.memory_space<hbm>>
      %dma_start3A_8 = tpu.memref_slice %arg6[%mul3A_2] : memref<65536xf32, #tpu.memory_space<hbm>> -> memref<2048xf32, #tpu.memory_space<hbm>>
      tpu.enqueue_dma source(%arg11 : memref<2048xf32, #tpu.memory_space<vmem>>) target(%dma_start3A_8 : memref<2048xf32, #tpu.memory_space<hbm>>) target_semaphore(%run_scoped3A : memref<!tpu.dma_semaphore, #tpu.memory_space<semaphore_mem>>)
      %dma_wait3A = tpu.memref_slice %arg6[%mul3A_2] : memref<65536xf32, #tpu.memory_space<hbm>> -> memref<2048xf32, #tpu.memory_space<hbm>>
      %dma_wait3A_9 = tpu.memref_slice %arg6[%mul3A_2] : memref<65536xf32, #tpu.memory_space<hbm>> -> memref<2048xf32, #tpu.memory_space<hbm>>
      tpu.wait_dma2 semaphore(%run_scoped3A : memref<!tpu.dma_semaphore, #tpu.memory_space<semaphore_mem>>) src(%arg11 : memref<2048xf32, #tpu.memory_space<vmem>>) dst(%dma_wait3A_9 : memref<2048xf32, #tpu.memory_space<hbm>>)
      tpu.yield
    }) : () -> ()
    return
  }
}

module attributes {stable_mosaic.version = 14 : i64} {
  func.func @_lambda_(%arg0: i32, %arg1: i32, %arg2: memref<1x3x2048xf32, #tpu.memory_space<vmem>>, %arg3: memref<1x2048x3xf32, #tpu.memory_space<vmem>>, %arg4: memref<512x16xi32, #tpu.memory_space<vmem>>) attributes {dimension_semantics = [#tpu.dimension_semantics<arbitrary>, #tpu.dimension_semantics<arbitrary>], iteration_bounds = array<i64: 2, 4>, scalar_prefetch = 0 : i64, scratch_operands = 0 : i64, tpu.core_type = #tpu.core_type<tc>, window_params = [{transform_indices = @transform_0, window_bounds = array<i64: 1, 3, 2048>}, {transform_indices = @transform_1, window_bounds = array<i64: 1, 2048, 3>}, {transform_indices = @transform_2, window_bounds = array<i64: 512, 16>}]} {
    %get3A = arith.constant 0 : index
    %get3A_0 = arith.constant 0 : index
    %get3A_1 = arith.constant 0 : index
    %get3A_2 = vector.load %arg2[%get3A, %get3A_0, %get3A_1] : memref<1x3x2048xf32, #tpu.memory_space<vmem>>, vector<1x3x2048xf32>
    %get3A_3 = vector.shape_cast %get3A_2 : vector<1x3x2048xf32> to vector<3x2048xf32>
    %mul3A = arith.constant 512 : i32
    %mul3A_4 = arith.muli %arg1, %mul3A : i32
    %get3A_5 = arith.constant 0 : index
    %get3A_6 = arith.index_cast %mul3A_4 : i32 to index
    %get3A_7 = arith.constant 0 : index
    %get3A_8 = vector.load %arg3[%get3A_5, %get3A_6, %get3A_7] : memref<1x2048x3xf32, #tpu.memory_space<vmem>>, vector<1x512x3xf32>
    %get3A_9 = vector.shape_cast %get3A_8 : vector<1x512x3xf32> to vector<512x3xf32>
    %slice3A = vector.extract_strided_slice %get3A_9 {offsets = [0, 0], sizes = [512, 1], strides = [1, 1]} : vector<512x3xf32> to vector<512x1xf32>
    %slice3A_10 = vector.extract_strided_slice %get3A_3 {offsets = [0, 0], sizes = [1, 2048], strides = [1, 1]} : vector<3x2048xf32> to vector<1x2048xf32>
    %sub3A = vector.broadcast %slice3A : vector<512x1xf32> to vector<512x2048xf32>
    %sub3A_11 = vector.broadcast %slice3A_10 : vector<1x2048xf32> to vector<512x2048xf32>
    %sub3A_12 = arith.subf %sub3A, %sub3A_11 : vector<512x2048xf32>
    %integer_pow3A = arith.mulf %sub3A_12, %sub3A_12 : vector<512x2048xf32>
    %slice3A_13 = vector.extract_strided_slice %get3A_9 {offsets = [0, 1], sizes = [512, 1], strides = [1, 1]} : vector<512x3xf32> to vector<512x1xf32>
    %slice3A_14 = vector.extract_strided_slice %get3A_3 {offsets = [1, 0], sizes = [1, 2048], strides = [1, 1]} : vector<3x2048xf32> to vector<1x2048xf32>
    %sub3A_15 = vector.broadcast %slice3A_13 : vector<512x1xf32> to vector<512x2048xf32>
    %sub3A_16 = vector.broadcast %slice3A_14 : vector<1x2048xf32> to vector<512x2048xf32>
    %sub3A_17 = arith.subf %sub3A_15, %sub3A_16 : vector<512x2048xf32>
    %integer_pow3A_18 = arith.mulf %sub3A_17, %sub3A_17 : vector<512x2048xf32>
    %add3A = arith.addf %integer_pow3A, %integer_pow3A_18 : vector<512x2048xf32>
    %slice3A_19 = vector.extract_strided_slice %get3A_9 {offsets = [0, 2], sizes = [512, 1], strides = [1, 1]} : vector<512x3xf32> to vector<512x1xf32>
    %slice3A_20 = vector.extract_strided_slice %get3A_3 {offsets = [2, 0], sizes = [1, 2048], strides = [1, 1]} : vector<3x2048xf32> to vector<1x2048xf32>
    %sub3A_21 = vector.broadcast %slice3A_19 : vector<512x1xf32> to vector<512x2048xf32>
    %sub3A_22 = vector.broadcast %slice3A_20 : vector<1x2048xf32> to vector<512x2048xf32>
    %sub3A_23 = arith.subf %sub3A_21, %sub3A_22 : vector<512x2048xf32>
    %integer_pow3A_24 = arith.mulf %sub3A_23, %sub3A_23 : vector<512x2048xf32>
    %add3A_25 = arith.addf %add3A, %integer_pow3A_24 : vector<512x2048xf32>
    %iota3A = tpu.iota {dimensions = array<i32: 1>} : vector<512x2048xi32>
    %mul3A_26 = arith.constant 2048 : i32
    %mul3A_27 = arith.muli %arg0, %mul3A_26 : i32
    %reduce_min3A = arith.constant dense<0x7F800000> : vector<512xf32>
    %reduce_min3A_28 = vector.multi_reduction <minimumf>, %add3A_25, %reduce_min3A [1] : vector<512x2048xf32> to vector<512xf32>
    %broadcast_in_dim3A = vector.shape_cast %reduce_min3A_28 : vector<512xf32> to vector<512x1xf32>
    %eq3A = vector.broadcast %broadcast_in_dim3A : vector<512x1xf32> to vector<512x2048xf32>
    %eq3A_29 = arith.cmpf oeq, %add3A_25, %eq3A : vector<512x2048xf32>
    %jit3A = arith.constant 2048 : i32
    %broadcast_in_dim3A_30 = vector.broadcast %jit3A : i32 to vector<512x2048xi32>
    %select_n3A = arith.select %eq3A_29, %iota3A, %broadcast_in_dim3A_30 : vector<512x2048xi1>, vector<512x2048xi32>
    %reduce_min3A_31 = arith.constant dense<2147483647> : vector<512xi32>
    %reduce_min3A_32 = vector.multi_reduction <minsi>, %select_n3A, %reduce_min3A_31 [1] : vector<512x2048xi32> to vector<512xi32>
    %broadcast_in_dim3A_33 = vector.shape_cast %reduce_min3A_32 : vector<512xi32> to vector<512x1xi32>
    %add3A_34 = vector.broadcast %mul3A_27 : i32 to vector<512x1xi32>
    %add3A_35 = arith.addi %broadcast_in_dim3A_33, %add3A_34 : vector<512x1xi32>
    %swap3A = arith.constant 0 : index
    %swap3A_36 = arith.constant 0 : index
    %swap3A_37 = vector.load %arg4[%swap3A, %swap3A_36] : memref<512x16xi32, #tpu.memory_space<vmem>>, vector<512x1xi32>
    tpu.vector_store %arg4[%swap3A, %swap3A_36], %add3A_35 {strides = array<i32>} : memref<512x16xi32, #tpu.memory_space<vmem>>, vector<512x1xi32>,
    %eq3A_38 = vector.broadcast %broadcast_in_dim3A_33 : vector<512x1xi32> to vector<512x2048xi32>
    %eq3A_39 = arith.cmpi eq, %select_n3A, %eq3A_38 : vector<512x2048xi32>
    %jit3A_40 = arith.constant 0x7F800000 : f32
    %broadcast_in_dim3A_41 = vector.broadcast %jit3A_40 : f32 to vector<512x2048xf32>
    %select_n3A_42 = arith.select %eq3A_39, %broadcast_in_dim3A_41, %add3A_25 : vector<512x2048xi1>, vector<512x2048xf32>
    %reduce_min3A_43 = arith.constant dense<0x7F800000> : vector<512xf32>
    %reduce_min3A_44 = vector.multi_reduction <minimumf>, %select_n3A_42, %reduce_min3A_43 [1] : vector<512x2048xf32> to vector<512xf32>
    %broadcast_in_dim3A_45 = vector.shape_cast %reduce_min3A_44 : vector<512xf32> to vector<512x1xf32>
    %eq3A_46 = vector.broadcast %broadcast_in_dim3A_45 : vector<512x1xf32> to vector<512x2048xf32>
    %eq3A_47 = arith.cmpf oeq, %select_n3A_42, %eq3A_46 : vector<512x2048xf32>
    %jit3A_48 = arith.constant 2048 : i32
    %broadcast_in_dim3A_49 = vector.broadcast %jit3A_48 : i32 to vector<512x2048xi32>
    %select_n3A_50 = arith.select %eq3A_47, %iota3A, %broadcast_in_dim3A_49 : vector<512x2048xi1>, vector<512x2048xi32>
    %reduce_min3A_51 = arith.constant dense<2147483647> : vector<512xi32>
    %reduce_min3A_52 = vector.multi_reduction <minsi>, %select_n3A_50, %reduce_min3A_51 [1] : vector<512x2048xi32> to vector<512xi32>
    %broadcast_in_dim3A_53 = vector.shape_cast %reduce_min3A_52 : vector<512xi32> to vector<512x1xi32>
    %add3A_54 = vector.broadcast %mul3A_27 : i32 to vector<512x1xi32>
    %add3A_55 = arith.addi %broadcast_in_dim3A_53, %add3A_54 : vector<512x1xi32>
    %swap3A_56 = arith.constant 0 : index
    %swap3A_57 = arith.constant 1 : index
    %swap3A_58 = vector.load %arg4[%swap3A_56, %swap3A_57] : memref<512x16xi32, #tpu.memory_space<vmem>>, vector<512x1xi32>
    tpu.vector_store %arg4[%swap3A_56, %swap3A_57], %add3A_55 {strides = array<i32>} : memref<512x16xi32, #tpu.memory_space<vmem>>, vector<512x1xi32>,
    %eq3A_59 = vector.broadcast %broadcast_in_dim3A_53 : vector<512x1xi32> to vector<512x2048xi32>
    %eq3A_60 = arith.cmpi eq, %select_n3A_50, %eq3A_59 : vector<512x2048xi32>
    %jit3A_61 = arith.constant 0x7F800000 : f32
    %broadcast_in_dim3A_62 = vector.broadcast %jit3A_61 : f32 to vector<512x2048xf32>
    %select_n3A_63 = arith.select %eq3A_60, %broadcast_in_dim3A_62, %select_n3A_42 : vector<512x2048xi1>, vector<512x2048xf32>
    %reduce_min3A_64 = arith.constant dense<0x7F800000> : vector<512xf32>
    %reduce_min3A_65 = vector.multi_reduction <minimumf>, %select_n3A_63, %reduce_min3A_64 [1] : vector<512x2048xf32> to vector<512xf32>
    %broadcast_in_dim3A_66 = vector.shape_cast %reduce_min3A_65 : vector<512xf32> to vector<512x1xf32>
    %eq3A_67 = vector.broadcast %broadcast_in_dim3A_66 : vector<512x1xf32> to vector<512x2048xf32>
    %eq3A_68 = arith.cmpf oeq, %select_n3A_63, %eq3A_67 : vector<512x2048xf32>
    %jit3A_69 = arith.constant 2048 : i32
    %broadcast_in_dim3A_70 = vector.broadcast %jit3A_69 : i32 to vector<512x2048xi32>
    %select_n3A_71 = arith.select %eq3A_68, %iota3A, %broadcast_in_dim3A_70 : vector<512x2048xi1>, vector<512x2048xi32>
    %reduce_min3A_72 = arith.constant dense<2147483647> : vector<512xi32>
    %reduce_min3A_73 = vector.multi_reduction <minsi>, %select_n3A_71, %reduce_min3A_72 [1] : vector<512x2048xi32> to vector<512xi32>
    %broadcast_in_dim3A_74 = vector.shape_cast %reduce_min3A_73 : vector<512xi32> to vector<512x1xi32>
    %add3A_75 = vector.broadcast %mul3A_27 : i32 to vector<512x1xi32>
    %add3A_76 = arith.addi %broadcast_in_dim3A_74, %add3A_75 : vector<512x1xi32>
    %swap3A_77 = arith.constant 0 : index
    %swap3A_78 = arith.constant 2 : index
    %swap3A_79 = vector.load %arg4[%swap3A_77, %swap3A_78] : memref<512x16xi32, #tpu.memory_space<vmem>>, vector<512x1xi32>
    tpu.vector_store %arg4[%swap3A_77, %swap3A_78], %add3A_76 {strides = array<i32>} : memref<512x16xi32, #tpu.memory_space<vmem>>, vector<512x1xi32>,
    %eq3A_80 = vector.broadcast %broadcast_in_dim3A_74 : vector<512x1xi32> to vector<512x2048xi32>
    %eq3A_81 = arith.cmpi eq, %select_n3A_71, %eq3A_80 : vector<512x2048xi32>
    %jit3A_82 = arith.constant 0x7F800000 : f32
    %broadcast_in_dim3A_83 = vector.broadcast %jit3A_82 : f32 to vector<512x2048xf32>
    %select_n3A_84 = arith.select %eq3A_81, %broadcast_in_dim3A_83, %select_n3A_63 : vector<512x2048xi1>, vector<512x2048xf32>
    %reduce_min3A_85 = arith.constant dense<0x7F800000> : vector<512xf32>
    %reduce_min3A_86 = vector.multi_reduction <minimumf>, %select_n3A_84, %reduce_min3A_85 [1] : vector<512x2048xf32> to vector<512xf32>
    %broadcast_in_dim3A_87 = vector.shape_cast %reduce_min3A_86 : vector<512xf32> to vector<512x1xf32>
    %eq3A_88 = vector.broadcast %broadcast_in_dim3A_87 : vector<512x1xf32> to vector<512x2048xf32>
    %eq3A_89 = arith.cmpf oeq, %select_n3A_84, %eq3A_88 : vector<512x2048xf32>
    %jit3A_90 = arith.constant 2048 : i32
    %broadcast_in_dim3A_91 = vector.broadcast %jit3A_90 : i32 to vector<512x2048xi32>
    %select_n3A_92 = arith.select %eq3A_89, %iota3A, %broadcast_in_dim3A_91 : vector<512x2048xi1>, vector<512x2048xi32>
    %reduce_min3A_93 = arith.constant dense<2147483647> : vector<512xi32>
    %reduce_min3A_94 = vector.multi_reduction <minsi>, %select_n3A_92, %reduce_min3A_93 [1] : vector<512x2048xi32> to vector<512xi32>
    %broadcast_in_dim3A_95 = vector.shape_cast %reduce_min3A_94 : vector<512xi32> to vector<512x1xi32>
    %add3A_96 = vector.broadcast %mul3A_27 : i32 to vector<512x1xi32>
    %add3A_97 = arith.addi %broadcast_in_dim3A_95, %add3A_96 : vector<512x1xi32>
    %swap3A_98 = arith.constant 0 : index
    %swap3A_99 = arith.constant 3 : index
    %swap3A_100 = vector.load %arg4[%swap3A_98, %swap3A_99] : memref<512x16xi32, #tpu.memory_space<vmem>>, vector<512x1xi32>
    tpu.vector_store %arg4[%swap3A_98, %swap3A_99], %add3A_97 {strides = array<i32>} : memref<512x16xi32, #tpu.memory_space<vmem>>, vector<512x1xi32>,
    %eq3A_101 = vector.broadcast %broadcast_in_dim3A_95 : vector<512x1xi32> to vector<512x2048xi32>
    %eq3A_102 = arith.cmpi eq, %select_n3A_92, %eq3A_101 : vector<512x2048xi32>
    %jit3A_103 = arith.constant 0x7F800000 : f32
    %broadcast_in_dim3A_104 = vector.broadcast %jit3A_103 : f32 to vector<512x2048xf32>
    %select_n3A_105 = arith.select %eq3A_102, %broadcast_in_dim3A_104, %select_n3A_84 : vector<512x2048xi1>, vector<512x2048xf32>
    %reduce_min3A_106 = arith.constant dense<0x7F800000> : vector<512xf32>
    %reduce_min3A_107 = vector.multi_reduction <minimumf>, %select_n3A_105, %reduce_min3A_106 [1] : vector<512x2048xf32> to vector<512xf32>
    %broadcast_in_dim3A_108 = vector.shape_cast %reduce_min3A_107 : vector<512xf32> to vector<512x1xf32>
    %eq3A_109 = vector.broadcast %broadcast_in_dim3A_108 : vector<512x1xf32> to vector<512x2048xf32>
    %eq3A_110 = arith.cmpf oeq, %select_n3A_105, %eq3A_109 : vector<512x2048xf32>
    %jit3A_111 = arith.constant 2048 : i32
    %broadcast_in_dim3A_112 = vector.broadcast %jit3A_111 : i32 to vector<512x2048xi32>
    %select_n3A_113 = arith.select %eq3A_110, %iota3A, %broadcast_in_dim3A_112 : vector<512x2048xi1>, vector<512x2048xi32>
    %reduce_min3A_114 = arith.constant dense<2147483647> : vector<512xi32>
    %reduce_min3A_115 = vector.multi_reduction <minsi>, %select_n3A_113, %reduce_min3A_114 [1] : vector<512x2048xi32> to vector<512xi32>
    %broadcast_in_dim3A_116 = vector.shape_cast %reduce_min3A_115 : vector<512xi32> to vector<512x1xi32>
    %add3A_117 = vector.broadcast %mul3A_27 : i32 to vector<512x1xi32>
    %add3A_118 = arith.addi %broadcast_in_dim3A_116, %add3A_117 : vector<512x1xi32>
    %swap3A_119 = arith.constant 0 : index
    %swap3A_120 = arith.constant 4 : index
    %swap3A_121 = vector.load %arg4[%swap3A_119, %swap3A_120] : memref<512x16xi32, #tpu.memory_space<vmem>>, vector<512x1xi32>
    tpu.vector_store %arg4[%swap3A_119, %swap3A_120], %add3A_118 {strides = array<i32>} : memref<512x16xi32, #tpu.memory_space<vmem>>, vector<512x1xi32>,
    %eq3A_122 = vector.broadcast %broadcast_in_dim3A_116 : vector<512x1xi32> to vector<512x2048xi32>
    %eq3A_123 = arith.cmpi eq, %select_n3A_113, %eq3A_122 : vector<512x2048xi32>
    %jit3A_124 = arith.constant 0x7F800000 : f32
    %broadcast_in_dim3A_125 = vector.broadcast %jit3A_124 : f32 to vector<512x2048xf32>
    %select_n3A_126 = arith.select %eq3A_123, %broadcast_in_dim3A_125, %select_n3A_105 : vector<512x2048xi1>, vector<512x2048xf32>
    %reduce_min3A_127 = arith.constant dense<0x7F800000> : vector<512xf32>
    %reduce_min3A_128 = vector.multi_reduction <minimumf>, %select_n3A_126, %reduce_min3A_127 [1] : vector<512x2048xf32> to vector<512xf32>
    %broadcast_in_dim3A_129 = vector.shape_cast %reduce_min3A_128 : vector<512xf32> to vector<512x1xf32>
    %eq3A_130 = vector.broadcast %broadcast_in_dim3A_129 : vector<512x1xf32> to vector<512x2048xf32>
    %eq3A_131 = arith.cmpf oeq, %select_n3A_126, %eq3A_130 : vector<512x2048xf32>
    %jit3A_132 = arith.constant 2048 : i32
    %broadcast_in_dim3A_133 = vector.broadcast %jit3A_132 : i32 to vector<512x2048xi32>
    %select_n3A_134 = arith.select %eq3A_131, %iota3A, %broadcast_in_dim3A_133 : vector<512x2048xi1>, vector<512x2048xi32>
    %reduce_min3A_135 = arith.constant dense<2147483647> : vector<512xi32>
    %reduce_min3A_136 = vector.multi_reduction <minsi>, %select_n3A_134, %reduce_min3A_135 [1] : vector<512x2048xi32> to vector<512xi32>
    %broadcast_in_dim3A_137 = vector.shape_cast %reduce_min3A_136 : vector<512xi32> to vector<512x1xi32>
    %add3A_138 = vector.broadcast %mul3A_27 : i32 to vector<512x1xi32>
    %add3A_139 = arith.addi %broadcast_in_dim3A_137, %add3A_138 : vector<512x1xi32>
    %swap3A_140 = arith.constant 0 : index
    %swap3A_141 = arith.constant 5 : index
    %swap3A_142 = vector.load %arg4[%swap3A_140, %swap3A_141] : memref<512x16xi32, #tpu.memory_space<vmem>>, vector<512x1xi32>
    tpu.vector_store %arg4[%swap3A_140, %swap3A_141], %add3A_139 {strides = array<i32>} : memref<512x16xi32, #tpu.memory_space<vmem>>, vector<512x1xi32>,
    %eq3A_143 = vector.broadcast %broadcast_in_dim3A_137 : vector<512x1xi32> to vector<512x2048xi32>
    %eq3A_144 = arith.cmpi eq, %select_n3A_134, %eq3A_143 : vector<512x2048xi32>
    %jit3A_145 = arith.constant 0x7F800000 : f32
    %broadcast_in_dim3A_146 = vector.broadcast %jit3A_145 : f32 to vector<512x2048xf32>
    %select_n3A_147 = arith.select %eq3A_144, %broadcast_in_dim3A_146, %select_n3A_126 : vector<512x2048xi1>, vector<512x2048xf32>
    %reduce_min3A_148 = arith.constant dense<0x7F800000> : vector<512xf32>
    %reduce_min3A_149 = vector.multi_reduction <minimumf>, %select_n3A_147, %reduce_min3A_148 [1] : vector<512x2048xf32> to vector<512xf32>
    %broadcast_in_dim3A_150 = vector.shape_cast %reduce_min3A_149 : vector<512xf32> to vector<512x1xf32>
    %eq3A_151 = vector.broadcast %broadcast_in_dim3A_150 : vector<512x1xf32> to vector<512x2048xf32>
    %eq3A_152 = arith.cmpf oeq, %select_n3A_147, %eq3A_151 : vector<512x2048xf32>
    %jit3A_153 = arith.constant 2048 : i32
    %broadcast_in_dim3A_154 = vector.broadcast %jit3A_153 : i32 to vector<512x2048xi32>
    %select_n3A_155 = arith.select %eq3A_152, %iota3A, %broadcast_in_dim3A_154 : vector<512x2048xi1>, vector<512x2048xi32>
    %reduce_min3A_156 = arith.constant dense<2147483647> : vector<512xi32>
    %reduce_min3A_157 = vector.multi_reduction <minsi>, %select_n3A_155, %reduce_min3A_156 [1] : vector<512x2048xi32> to vector<512xi32>
    %broadcast_in_dim3A_158 = vector.shape_cast %reduce_min3A_157 : vector<512xi32> to vector<512x1xi32>
    %add3A_159 = vector.broadcast %mul3A_27 : i32 to vector<512x1xi32>
    %add3A_160 = arith.addi %broadcast_in_dim3A_158, %add3A_159 : vector<512x1xi32>
    %swap3A_161 = arith.constant 0 : index
    %swap3A_162 = arith.constant 6 : index
    %swap3A_163 = vector.load %arg4[%swap3A_161, %swap3A_162] : memref<512x16xi32, #tpu.memory_space<vmem>>, vector<512x1xi32>
    tpu.vector_store %arg4[%swap3A_161, %swap3A_162], %add3A_160 {strides = array<i32>} : memref<512x16xi32, #tpu.memory_space<vmem>>, vector<512x1xi32>,
    %eq3A_164 = vector.broadcast %broadcast_in_dim3A_158 : vector<512x1xi32> to vector<512x2048xi32>
    %eq3A_165 = arith.cmpi eq, %select_n3A_155, %eq3A_164 : vector<512x2048xi32>
    %jit3A_166 = arith.constant 0x7F800000 : f32
    %broadcast_in_dim3A_167 = vector.broadcast %jit3A_166 : f32 to vector<512x2048xf32>
    %select_n3A_168 = arith.select %eq3A_165, %broadcast_in_dim3A_167, %select_n3A_147 : vector<512x2048xi1>, vector<512x2048xf32>
    %reduce_min3A_169 = arith.constant dense<0x7F800000> : vector<512xf32>
    %reduce_min3A_170 = vector.multi_reduction <minimumf>, %select_n3A_168, %reduce_min3A_169 [1] : vector<512x2048xf32> to vector<512xf32>
    %broadcast_in_dim3A_171 = vector.shape_cast %reduce_min3A_170 : vector<512xf32> to vector<512x1xf32>
    %eq3A_172 = vector.broadcast %broadcast_in_dim3A_171 : vector<512x1xf32> to vector<512x2048xf32>
    %eq3A_173 = arith.cmpf oeq, %select_n3A_168, %eq3A_172 : vector<512x2048xf32>
    %jit3A_174 = arith.constant 2048 : i32
    %broadcast_in_dim3A_175 = vector.broadcast %jit3A_174 : i32 to vector<512x2048xi32>
    %select_n3A_176 = arith.select %eq3A_173, %iota3A, %broadcast_in_dim3A_175 : vector<512x2048xi1>, vector<512x2048xi32>
    %reduce_min3A_177 = arith.constant dense<2147483647> : vector<512xi32>
    %reduce_min3A_178 = vector.multi_reduction <minsi>, %select_n3A_176, %reduce_min3A_177 [1] : vector<512x2048xi32> to vector<512xi32>
    %broadcast_in_dim3A_179 = vector.shape_cast %reduce_min3A_178 : vector<512xi32> to vector<512x1xi32>
    %add3A_180 = vector.broadcast %mul3A_27 : i32 to vector<512x1xi32>
    %add3A_181 = arith.addi %broadcast_in_dim3A_179, %add3A_180 : vector<512x1xi32>
    %swap3A_182 = arith.constant 0 : index
    %swap3A_183 = arith.constant 7 : index
    %swap3A_184 = vector.load %arg4[%swap3A_182, %swap3A_183] : memref<512x16xi32, #tpu.memory_space<vmem>>, vector<512x1xi32>
    tpu.vector_store %arg4[%swap3A_182, %swap3A_183], %add3A_181 {strides = array<i32>} : memref<512x16xi32, #tpu.memory_space<vmem>>, vector<512x1xi32>,
    %eq3A_185 = vector.broadcast %broadcast_in_dim3A_179 : vector<512x1xi32> to vector<512x2048xi32>
    %eq3A_186 = arith.cmpi eq, %select_n3A_176, %eq3A_185 : vector<512x2048xi32>
    %jit3A_187 = arith.constant 0x7F800000 : f32
    %broadcast_in_dim3A_188 = vector.broadcast %jit3A_187 : f32 to vector<512x2048xf32>
    %select_n3A_189 = arith.select %eq3A_186, %broadcast_in_dim3A_188, %select_n3A_168 : vector<512x2048xi1>, vector<512x2048xf32>
    %reduce_min3A_190 = arith.constant dense<0x7F800000> : vector<512xf32>
    %reduce_min3A_191 = vector.multi_reduction <minimumf>, %select_n3A_189, %reduce_min3A_190 [1] : vector<512x2048xf32> to vector<512xf32>
    %broadcast_in_dim3A_192 = vector.shape_cast %reduce_min3A_191 : vector<512xf32> to vector<512x1xf32>
    %eq3A_193 = vector.broadcast %broadcast_in_dim3A_192 : vector<512x1xf32> to vector<512x2048xf32>
    %eq3A_194 = arith.cmpf oeq, %select_n3A_189, %eq3A_193 : vector<512x2048xf32>
    %jit3A_195 = arith.constant 2048 : i32
    %broadcast_in_dim3A_196 = vector.broadcast %jit3A_195 : i32 to vector<512x2048xi32>
    %select_n3A_197 = arith.select %eq3A_194, %iota3A, %broadcast_in_dim3A_196 : vector<512x2048xi1>, vector<512x2048xi32>
    %reduce_min3A_198 = arith.constant dense<2147483647> : vector<512xi32>
    %reduce_min3A_199 = vector.multi_reduction <minsi>, %select_n3A_197, %reduce_min3A_198 [1] : vector<512x2048xi32> to vector<512xi32>
    %broadcast_in_dim3A_200 = vector.shape_cast %reduce_min3A_199 : vector<512xi32> to vector<512x1xi32>
    %add3A_201 = vector.broadcast %mul3A_27 : i32 to vector<512x1xi32>
    %add3A_202 = arith.addi %broadcast_in_dim3A_200, %add3A_201 : vector<512x1xi32>
    %swap3A_203 = arith.constant 0 : index
    %swap3A_204 = arith.constant 8 : index
    %swap3A_205 = vector.load %arg4[%swap3A_203, %swap3A_204] : memref<512x16xi32, #tpu.memory_space<vmem>>, vector<512x1xi32>
    tpu.vector_store %arg4[%swap3A_203, %swap3A_204], %add3A_202 {strides = array<i32>} : memref<512x16xi32, #tpu.memory_space<vmem>>, vector<512x1xi32>,
    %eq3A_206 = vector.broadcast %broadcast_in_dim3A_200 : vector<512x1xi32> to vector<512x2048xi32>
    %eq3A_207 = arith.cmpi eq, %select_n3A_197, %eq3A_206 : vector<512x2048xi32>
    %jit3A_208 = arith.constant 0x7F800000 : f32
    %broadcast_in_dim3A_209 = vector.broadcast %jit3A_208 : f32 to vector<512x2048xf32>
    %select_n3A_210 = arith.select %eq3A_207, %broadcast_in_dim3A_209, %select_n3A_189 : vector<512x2048xi1>, vector<512x2048xf32>
    %reduce_min3A_211 = arith.constant dense<0x7F800000> : vector<512xf32>
    %reduce_min3A_212 = vector.multi_reduction <minimumf>, %select_n3A_210, %reduce_min3A_211 [1] : vector<512x2048xf32> to vector<512xf32>
    %broadcast_in_dim3A_213 = vector.shape_cast %reduce_min3A_212 : vector<512xf32> to vector<512x1xf32>
    %eq3A_214 = vector.broadcast %broadcast_in_dim3A_213 : vector<512x1xf32> to vector<512x2048xf32>
    %eq3A_215 = arith.cmpf oeq, %select_n3A_210, %eq3A_214 : vector<512x2048xf32>
    %jit3A_216 = arith.constant 2048 : i32
    %broadcast_in_dim3A_217 = vector.broadcast %jit3A_216 : i32 to vector<512x2048xi32>
    %select_n3A_218 = arith.select %eq3A_215, %iota3A, %broadcast_in_dim3A_217 : vector<512x2048xi1>, vector<512x2048xi32>
    %reduce_min3A_219 = arith.constant dense<2147483647> : vector<512xi32>
    %reduce_min3A_220 = vector.multi_reduction <minsi>, %select_n3A_218, %reduce_min3A_219 [1] : vector<512x2048xi32> to vector<512xi32>
    %broadcast_in_dim3A_221 = vector.shape_cast %reduce_min3A_220 : vector<512xi32> to vector<512x1xi32>
    %add3A_222 = vector.broadcast %mul3A_27 : i32 to vector<512x1xi32>
    %add3A_223 = arith.addi %broadcast_in_dim3A_221, %add3A_222 : vector<512x1xi32>
    %swap3A_224 = arith.constant 0 : index
    %swap3A_225 = arith.constant 9 : index
    %swap3A_226 = vector.load %arg4[%swap3A_224, %swap3A_225] : memref<512x16xi32, #tpu.memory_space<vmem>>, vector<512x1xi32>
    tpu.vector_store %arg4[%swap3A_224, %swap3A_225], %add3A_223 {strides = array<i32>} : memref<512x16xi32, #tpu.memory_space<vmem>>, vector<512x1xi32>,
    %eq3A_227 = vector.broadcast %broadcast_in_dim3A_221 : vector<512x1xi32> to vector<512x2048xi32>
    %eq3A_228 = arith.cmpi eq, %select_n3A_218, %eq3A_227 : vector<512x2048xi32>
    %jit3A_229 = arith.constant 0x7F800000 : f32
    %broadcast_in_dim3A_230 = vector.broadcast %jit3A_229 : f32 to vector<512x2048xf32>
    %select_n3A_231 = arith.select %eq3A_228, %broadcast_in_dim3A_230, %select_n3A_210 : vector<512x2048xi1>, vector<512x2048xf32>
    %reduce_min3A_232 = arith.constant dense<0x7F800000> : vector<512xf32>
    %reduce_min3A_233 = vector.multi_reduction <minimumf>, %select_n3A_231, %reduce_min3A_232 [1] : vector<512x2048xf32> to vector<512xf32>
    %broadcast_in_dim3A_234 = vector.shape_cast %reduce_min3A_233 : vector<512xf32> to vector<512x1xf32>
    %eq3A_235 = vector.broadcast %broadcast_in_dim3A_234 : vector<512x1xf32> to vector<512x2048xf32>
    %eq3A_236 = arith.cmpf oeq, %select_n3A_231, %eq3A_235 : vector<512x2048xf32>
    %jit3A_237 = arith.constant 2048 : i32
    %broadcast_in_dim3A_238 = vector.broadcast %jit3A_237 : i32 to vector<512x2048xi32>
    %select_n3A_239 = arith.select %eq3A_236, %iota3A, %broadcast_in_dim3A_238 : vector<512x2048xi1>, vector<512x2048xi32>
    %reduce_min3A_240 = arith.constant dense<2147483647> : vector<512xi32>
    %reduce_min3A_241 = vector.multi_reduction <minsi>, %select_n3A_239, %reduce_min3A_240 [1] : vector<512x2048xi32> to vector<512xi32>
    %broadcast_in_dim3A_242 = vector.shape_cast %reduce_min3A_241 : vector<512xi32> to vector<512x1xi32>
    %add3A_243 = vector.broadcast %mul3A_27 : i32 to vector<512x1xi32>
    %add3A_244 = arith.addi %broadcast_in_dim3A_242, %add3A_243 : vector<512x1xi32>
    %swap3A_245 = arith.constant 0 : index
    %swap3A_246 = arith.constant 10 : index
    %swap3A_247 = vector.load %arg4[%swap3A_245, %swap3A_246] : memref<512x16xi32, #tpu.memory_space<vmem>>, vector<512x1xi32>
    tpu.vector_store %arg4[%swap3A_245, %swap3A_246], %add3A_244 {strides = array<i32>} : memref<512x16xi32, #tpu.memory_space<vmem>>, vector<512x1xi32>,
    %eq3A_248 = vector.broadcast %broadcast_in_dim3A_242 : vector<512x1xi32> to vector<512x2048xi32>
    %eq3A_249 = arith.cmpi eq, %select_n3A_239, %eq3A_248 : vector<512x2048xi32>
    %jit3A_250 = arith.constant 0x7F800000 : f32
    %broadcast_in_dim3A_251 = vector.broadcast %jit3A_250 : f32 to vector<512x2048xf32>
    %select_n3A_252 = arith.select %eq3A_249, %broadcast_in_dim3A_251, %select_n3A_231 : vector<512x2048xi1>, vector<512x2048xf32>
    %reduce_min3A_253 = arith.constant dense<0x7F800000> : vector<512xf32>
    %reduce_min3A_254 = vector.multi_reduction <minimumf>, %select_n3A_252, %reduce_min3A_253 [1] : vector<512x2048xf32> to vector<512xf32>
    %broadcast_in_dim3A_255 = vector.shape_cast %reduce_min3A_254 : vector<512xf32> to vector<512x1xf32>
    %eq3A_256 = vector.broadcast %broadcast_in_dim3A_255 : vector<512x1xf32> to vector<512x2048xf32>
    %eq3A_257 = arith.cmpf oeq, %select_n3A_252, %eq3A_256 : vector<512x2048xf32>
    %jit3A_258 = arith.constant 2048 : i32
    %broadcast_in_dim3A_259 = vector.broadcast %jit3A_258 : i32 to vector<512x2048xi32>
    %select_n3A_260 = arith.select %eq3A_257, %iota3A, %broadcast_in_dim3A_259 : vector<512x2048xi1>, vector<512x2048xi32>
    %reduce_min3A_261 = arith.constant dense<2147483647> : vector<512xi32>
    %reduce_min3A_262 = vector.multi_reduction <minsi>, %select_n3A_260, %reduce_min3A_261 [1] : vector<512x2048xi32> to vector<512xi32>
    %broadcast_in_dim3A_263 = vector.shape_cast %reduce_min3A_262 : vector<512xi32> to vector<512x1xi32>
    %add3A_264 = vector.broadcast %mul3A_27 : i32 to vector<512x1xi32>
    %add3A_265 = arith.addi %broadcast_in_dim3A_263, %add3A_264 : vector<512x1xi32>
    %swap3A_266 = arith.constant 0 : index
    %swap3A_267 = arith.constant 11 : index
    %swap3A_268 = vector.load %arg4[%swap3A_266, %swap3A_267] : memref<512x16xi32, #tpu.memory_space<vmem>>, vector<512x1xi32>
    tpu.vector_store %arg4[%swap3A_266, %swap3A_267], %add3A_265 {strides = array<i32>} : memref<512x16xi32, #tpu.memory_space<vmem>>, vector<512x1xi32>,
    %eq3A_269 = vector.broadcast %broadcast_in_dim3A_263 : vector<512x1xi32> to vector<512x2048xi32>
    %eq3A_270 = arith.cmpi eq, %select_n3A_260, %eq3A_269 : vector<512x2048xi32>
    %jit3A_271 = arith.constant 0x7F800000 : f32
    %broadcast_in_dim3A_272 = vector.broadcast %jit3A_271 : f32 to vector<512x2048xf32>
    %select_n3A_273 = arith.select %eq3A_270, %broadcast_in_dim3A_272, %select_n3A_252 : vector<512x2048xi1>, vector<512x2048xf32>
    %reduce_min3A_274 = arith.constant dense<0x7F800000> : vector<512xf32>
    %reduce_min3A_275 = vector.multi_reduction <minimumf>, %select_n3A_273, %reduce_min3A_274 [1] : vector<512x2048xf32> to vector<512xf32>
    %broadcast_in_dim3A_276 = vector.shape_cast %reduce_min3A_275 : vector<512xf32> to vector<512x1xf32>
    %eq3A_277 = vector.broadcast %broadcast_in_dim3A_276 : vector<512x1xf32> to vector<512x2048xf32>
    %eq3A_278 = arith.cmpf oeq, %select_n3A_273, %eq3A_277 : vector<512x2048xf32>
    %jit3A_279 = arith.constant 2048 : i32
    %broadcast_in_dim3A_280 = vector.broadcast %jit3A_279 : i32 to vector<512x2048xi32>
    %select_n3A_281 = arith.select %eq3A_278, %iota3A, %broadcast_in_dim3A_280 : vector<512x2048xi1>, vector<512x2048xi32>
    %reduce_min3A_282 = arith.constant dense<2147483647> : vector<512xi32>
    %reduce_min3A_283 = vector.multi_reduction <minsi>, %select_n3A_281, %reduce_min3A_282 [1] : vector<512x2048xi32> to vector<512xi32>
    %broadcast_in_dim3A_284 = vector.shape_cast %reduce_min3A_283 : vector<512xi32> to vector<512x1xi32>
    %add3A_285 = vector.broadcast %mul3A_27 : i32 to vector<512x1xi32>
    %add3A_286 = arith.addi %broadcast_in_dim3A_284, %add3A_285 : vector<512x1xi32>
    %swap3A_287 = arith.constant 0 : index
    %swap3A_288 = arith.constant 12 : index
    %swap3A_289 = vector.load %arg4[%swap3A_287, %swap3A_288] : memref<512x16xi32, #tpu.memory_space<vmem>>, vector<512x1xi32>
    tpu.vector_store %arg4[%swap3A_287, %swap3A_288], %add3A_286 {strides = array<i32>} : memref<512x16xi32, #tpu.memory_space<vmem>>, vector<512x1xi32>,
    %eq3A_290 = vector.broadcast %broadcast_in_dim3A_284 : vector<512x1xi32> to vector<512x2048xi32>
    %eq3A_291 = arith.cmpi eq, %select_n3A_281, %eq3A_290 : vector<512x2048xi32>
    %jit3A_292 = arith.constant 0x7F800000 : f32
    %broadcast_in_dim3A_293 = vector.broadcast %jit3A_292 : f32 to vector<512x2048xf32>
    %select_n3A_294 = arith.select %eq3A_291, %broadcast_in_dim3A_293, %select_n3A_273 : vector<512x2048xi1>, vector<512x2048xf32>
    %reduce_min3A_295 = arith.constant dense<0x7F800000> : vector<512xf32>
    %reduce_min3A_296 = vector.multi_reduction <minimumf>, %select_n3A_294, %reduce_min3A_295 [1] : vector<512x2048xf32> to vector<512xf32>
    %broadcast_in_dim3A_297 = vector.shape_cast %reduce_min3A_296 : vector<512xf32> to vector<512x1xf32>
    %eq3A_298 = vector.broadcast %broadcast_in_dim3A_297 : vector<512x1xf32> to vector<512x2048xf32>
    %eq3A_299 = arith.cmpf oeq, %select_n3A_294, %eq3A_298 : vector<512x2048xf32>
    %jit3A_300 = arith.constant 2048 : i32
    %broadcast_in_dim3A_301 = vector.broadcast %jit3A_300 : i32 to vector<512x2048xi32>
    %select_n3A_302 = arith.select %eq3A_299, %iota3A, %broadcast_in_dim3A_301 : vector<512x2048xi1>, vector<512x2048xi32>
    %reduce_min3A_303 = arith.constant dense<2147483647> : vector<512xi32>
    %reduce_min3A_304 = vector.multi_reduction <minsi>, %select_n3A_302, %reduce_min3A_303 [1] : vector<512x2048xi32> to vector<512xi32>
    %broadcast_in_dim3A_305 = vector.shape_cast %reduce_min3A_304 : vector<512xi32> to vector<512x1xi32>
    %add3A_306 = vector.broadcast %mul3A_27 : i32 to vector<512x1xi32>
    %add3A_307 = arith.addi %broadcast_in_dim3A_305, %add3A_306 : vector<512x1xi32>
    %swap3A_308 = arith.constant 0 : index
    %swap3A_309 = arith.constant 13 : index
    %swap3A_310 = vector.load %arg4[%swap3A_308, %swap3A_309] : memref<512x16xi32, #tpu.memory_space<vmem>>, vector<512x1xi32>
    tpu.vector_store %arg4[%swap3A_308, %swap3A_309], %add3A_307 {strides = array<i32>} : memref<512x16xi32, #tpu.memory_space<vmem>>, vector<512x1xi32>,
    %eq3A_311 = vector.broadcast %broadcast_in_dim3A_305 : vector<512x1xi32> to vector<512x2048xi32>
    %eq3A_312 = arith.cmpi eq, %select_n3A_302, %eq3A_311 : vector<512x2048xi32>
    %jit3A_313 = arith.constant 0x7F800000 : f32
    %broadcast_in_dim3A_314 = vector.broadcast %jit3A_313 : f32 to vector<512x2048xf32>
    %select_n3A_315 = arith.select %eq3A_312, %broadcast_in_dim3A_314, %select_n3A_294 : vector<512x2048xi1>, vector<512x2048xf32>
    %reduce_min3A_316 = arith.constant dense<0x7F800000> : vector<512xf32>
    %reduce_min3A_317 = vector.multi_reduction <minimumf>, %select_n3A_315, %reduce_min3A_316 [1] : vector<512x2048xf32> to vector<512xf32>
    %broadcast_in_dim3A_318 = vector.shape_cast %reduce_min3A_317 : vector<512xf32> to vector<512x1xf32>
    %eq3A_319 = vector.broadcast %broadcast_in_dim3A_318 : vector<512x1xf32> to vector<512x2048xf32>
    %eq3A_320 = arith.cmpf oeq, %select_n3A_315, %eq3A_319 : vector<512x2048xf32>
    %jit3A_321 = arith.constant 2048 : i32
    %broadcast_in_dim3A_322 = vector.broadcast %jit3A_321 : i32 to vector<512x2048xi32>
    %select_n3A_323 = arith.select %eq3A_320, %iota3A, %broadcast_in_dim3A_322 : vector<512x2048xi1>, vector<512x2048xi32>
    %reduce_min3A_324 = arith.constant dense<2147483647> : vector<512xi32>
    %reduce_min3A_325 = vector.multi_reduction <minsi>, %select_n3A_323, %reduce_min3A_324 [1] : vector<512x2048xi32> to vector<512xi32>
    %broadcast_in_dim3A_326 = vector.shape_cast %reduce_min3A_325 : vector<512xi32> to vector<512x1xi32>
    %add3A_327 = vector.broadcast %mul3A_27 : i32 to vector<512x1xi32>
    %add3A_328 = arith.addi %broadcast_in_dim3A_326, %add3A_327 : vector<512x1xi32>
    %swap3A_329 = arith.constant 0 : index
    %swap3A_330 = arith.constant 14 : index
    %swap3A_331 = vector.load %arg4[%swap3A_329, %swap3A_330] : memref<512x16xi32, #tpu.memory_space<vmem>>, vector<512x1xi32>
    tpu.vector_store %arg4[%swap3A_329, %swap3A_330], %add3A_328 {strides = array<i32>} : memref<512x16xi32, #tpu.memory_space<vmem>>, vector<512x1xi32>,
    %eq3A_332 = vector.broadcast %broadcast_in_dim3A_326 : vector<512x1xi32> to vector<512x2048xi32>
    %eq3A_333 = arith.cmpi eq, %select_n3A_323, %eq3A_332 : vector<512x2048xi32>
    %jit3A_334 = arith.constant 0x7F800000 : f32
    %broadcast_in_dim3A_335 = vector.broadcast %jit3A_334 : f32 to vector<512x2048xf32>
    %select_n3A_336 = arith.select %eq3A_333, %broadcast_in_dim3A_335, %select_n3A_315 : vector<512x2048xi1>, vector<512x2048xf32>
    %reduce_min3A_337 = arith.constant dense<0x7F800000> : vector<512xf32>
    %reduce_min3A_338 = vector.multi_reduction <minimumf>, %select_n3A_336, %reduce_min3A_337 [1] : vector<512x2048xf32> to vector<512xf32>
    %broadcast_in_dim3A_339 = vector.shape_cast %reduce_min3A_338 : vector<512xf32> to vector<512x1xf32>
    %eq3A_340 = vector.broadcast %broadcast_in_dim3A_339 : vector<512x1xf32> to vector<512x2048xf32>
    %eq3A_341 = arith.cmpf oeq, %select_n3A_336, %eq3A_340 : vector<512x2048xf32>
    %jit3A_342 = arith.constant 2048 : i32
    %broadcast_in_dim3A_343 = vector.broadcast %jit3A_342 : i32 to vector<512x2048xi32>
    %select_n3A_344 = arith.select %eq3A_341, %iota3A, %broadcast_in_dim3A_343 : vector<512x2048xi1>, vector<512x2048xi32>
    %reduce_min3A_345 = arith.constant dense<2147483647> : vector<512xi32>
    %reduce_min3A_346 = vector.multi_reduction <minsi>, %select_n3A_344, %reduce_min3A_345 [1] : vector<512x2048xi32> to vector<512xi32>
    %broadcast_in_dim3A_347 = vector.shape_cast %reduce_min3A_346 : vector<512xi32> to vector<512x1xi32>
    %add3A_348 = vector.broadcast %mul3A_27 : i32 to vector<512x1xi32>
    %add3A_349 = arith.addi %broadcast_in_dim3A_347, %add3A_348 : vector<512x1xi32>
    %swap3A_350 = arith.constant 0 : index
    %swap3A_351 = arith.constant 15 : index
    %swap3A_352 = vector.load %arg4[%swap3A_350, %swap3A_351] : memref<512x16xi32, #tpu.memory_space<vmem>>, vector<512x1xi32>
    tpu.vector_store %arg4[%swap3A_350, %swap3A_351], %add3A_349 {strides = array<i32>} : memref<512x16xi32, #tpu.memory_space<vmem>>, vector<512x1xi32>,
    return
  }
  func.func @transform_0(%arg0: i32, %arg1: i32) -> (i32, i32, i32) {
    %c0_i32 = arith.constant 0 : i32
    %c0_i32_0 = arith.constant 0 : i32
    %c0_i32_1 = arith.constant 0 : i32
    return %arg0, %c0_i32, %c0_i32_0 : i32, i32, i32
  }
  func.func @transform_1(%arg0: i32, %arg1: i32) -> (i32, i32, i32) {
    %c0_i32 = arith.constant 0 : i32
    %c0_i32_0 = arith.constant 0 : i32
    %c0_i32_1 = arith.constant 0 : i32
    return %arg0, %c0_i32, %c0_i32_0 : i32, i32, i32
  }
  func.func @transform_2(%arg0: i32, %arg1: i32) -> (i32, i32) {
    %mul3A = arith.constant 4 : i32
    %mul3A_0 = arith.muli %arg0, %mul3A : i32
    %add3A = arith.addi %mul3A_0, %arg1 : i32
    %c0_i32 = arith.constant 0 : i32
    %c0_i32_1 = arith.constant 0 : i32
    return %add3A, %c0_i32 : i32, i32
  }
}

module attributes {stable_mosaic.version = 14 : i64} {
  func.func @_lambda_(%arg0: memref<65536xf32, #tpu.memory_space<vmem>>, %arg1: memref<65536xf32, #tpu.memory_space<vmem>>, %arg2: memref<65536xf32, #tpu.memory_space<vmem>>, %arg3: memref<256x3xf32, #tpu.memory_space<vmem>>, %arg4: memref<256x1xf32, #tpu.memory_space<vmem>>, %arg5: memref<64x256xf32, #tpu.memory_space<vmem>>, %arg6: memref<64x1xf32, #tpu.memory_space<vmem>>, %arg7: memref<64x1xf32, #tpu.memory_space<vmem>>, %arg8: memref<64x1xf32, #tpu.memory_space<vmem>>, %arg9: memref<64x1xf32, #tpu.memory_space<vmem>>, %arg10: memref<64x1xf32, #tpu.memory_space<vmem>>) attributes {dimension_semantics = [], scalar_prefetch = 0 : i64, scratch_operands = 0 : i64, tpu.core_type = #tpu.core_type<tc>} {
    %get3A = arith.constant 0 : index
    %get3A_0 = vector.load %arg0[%get3A] : memref<65536xf32, #tpu.memory_space<vmem>>, vector<65536xf32>
    %reshape3A = vector.shape_cast %get3A_0 : vector<65536xf32> to vector<1x65536xf32>
    %get3A_1 = arith.constant 0 : index
    %get3A_2 = vector.load %arg1[%get3A_1] : memref<65536xf32, #tpu.memory_space<vmem>>, vector<65536xf32>
    %reshape3A_3 = vector.shape_cast %get3A_2 : vector<65536xf32> to vector<1x65536xf32>
    %get3A_4 = arith.constant 0 : index
    %get3A_5 = vector.load %arg2[%get3A_4] : memref<65536xf32, #tpu.memory_space<vmem>>, vector<65536xf32>
    %reshape3A_6 = vector.shape_cast %get3A_5 : vector<65536xf32> to vector<1x65536xf32>
    %concatenate3A = tpu.concatenate %reshape3A, %reshape3A_3, %reshape3A_6 in 0 : vector<1x65536xf32>, vector<1x65536xf32>, vector<1x65536xf32> -> vector<3x65536xf32>
    %get3A_7 = arith.constant 0 : index
    %get3A_8 = arith.constant 0 : index
    %get3A_9 = vector.load %arg3[%get3A_7, %get3A_8] : memref<256x3xf32, #tpu.memory_space<vmem>>, vector<256x3xf32>
    %get3A_10 = arith.constant 0 : index
    %get3A_11 = arith.constant 0 : index
    %get3A_12 = vector.load %arg4[%get3A_10, %get3A_11] : memref<256x1xf32, #tpu.memory_space<vmem>>, vector<256x1xf32>
    %get3A_13 = arith.constant 0 : index
    %get3A_14 = arith.constant 0 : index
    %get3A_15 = vector.load %arg5[%get3A_13, %get3A_14] : memref<64x256xf32, #tpu.memory_space<vmem>>, vector<64x256xf32>
    %get3A_16 = arith.constant 0 : index
    %get3A_17 = arith.constant 0 : index
    %get3A_18 = vector.load %arg6[%get3A_16, %get3A_17] : memref<64x1xf32, #tpu.memory_space<vmem>>, vector<64x1xf32>
    %reduce_sum3A = arith.constant dense<0.000000e+00> : vector<3xf32>
    %reduce_sum3A_19 = vector.multi_reduction <add>, %concatenate3A, %reduce_sum3A [1] : vector<3x65536xf32> to vector<3xf32>
    %broadcast_in_dim3A = vector.shape_cast %reduce_sum3A_19 : vector<3xf32> to vector<3x1xf32>
    %dot_general3A = arith.constant dense<0.000000e+00> : vector<3x3xf32>
    %dot_general3A_20 = tpu.matmul %concatenate3A, %concatenate3A, %dot_general3A {dimension_numbers = #tpu.dot_dimension_numbers<[1], [1], [0], [0], [0, 0, 1, 0], [], []>, precision = #tpu.contract_precision<fp32>, transpose_lhs_hint = false} : vector<3x65536xf32>, vector<3x65536xf32>, vector<3x3xf32> -> vector<3x3xf32>
    %dot_general3A_21 = arith.constant dense<0.000000e+00> : vector<256x1xf32>
    %dot_general3A_22 = tpu.matmul %get3A_9, %broadcast_in_dim3A, %dot_general3A_21 {dimension_numbers = #tpu.dot_dimension_numbers<[1], [0], [0], [1], [0, 0, 1, 1], [], []>, precision = #tpu.contract_precision<fp32>, transpose_lhs_hint = false} : vector<256x3xf32>, vector<3x1xf32>, vector<256x1xf32> -> vector<256x1xf32>
    %mul3A = arith.constant 6.553600e+04 : f32
    %mul3A_23 = vector.broadcast %mul3A : f32 to vector<256x1xf32>
    %mul3A_24 = arith.mulf %mul3A_23, %get3A_12 : vector<256x1xf32>
    %add3A = arith.addf %dot_general3A_22, %mul3A_24 : vector<256x1xf32>
    %dot_general3A_25 = arith.constant dense<0.000000e+00> : vector<256x3xf32>
    %dot_general3A_26 = tpu.matmul %get3A_9, %dot_general3A_20, %dot_general3A_25 {dimension_numbers = #tpu.dot_dimension_numbers<[1], [0], [0], [1], [0, 0, 1, 1], [], []>, precision = #tpu.contract_precision<fp32>, transpose_lhs_hint = false} : vector<256x3xf32>, vector<3x3xf32>, vector<256x3xf32> -> vector<256x3xf32>
    %dot_general3A_27 = arith.constant dense<0.000000e+00> : vector<256x256xf32>
    %dot_general3A_28 = tpu.matmul %dot_general3A_26, %get3A_9, %dot_general3A_27 {dimension_numbers = #tpu.dot_dimension_numbers<[1], [1], [0], [0], [0, 0, 1, 0], [], []>, precision = #tpu.contract_precision<fp32>, transpose_lhs_hint = false} : vector<256x3xf32>, vector<256x3xf32>, vector<256x256xf32> -> vector<256x256xf32>
    %dot_general3A_29 = arith.constant dense<0.000000e+00> : vector<256x1xf32>
    %dot_general3A_30 = tpu.matmul %get3A_9, %broadcast_in_dim3A, %dot_general3A_29 {dimension_numbers = #tpu.dot_dimension_numbers<[1], [0], [0], [1], [0, 0, 1, 1], [], []>, precision = #tpu.contract_precision<fp32>, transpose_lhs_hint = false} : vector<256x3xf32>, vector<3x1xf32>, vector<256x1xf32> -> vector<256x1xf32>
    %transpose3A = tpu.transpose %get3A_12, [1, 0] : vector<256x1xf32> -> vector<1x256xf32>
    %mul3A_31 = vector.broadcast %dot_general3A_30 : vector<256x1xf32> to vector<256x256xf32>
    %mul3A_32 = vector.broadcast %transpose3A : vector<1x256xf32> to vector<256x256xf32>
    %mul3A_33 = arith.mulf %mul3A_31, %mul3A_32 : vector<256x256xf32>
    %add3A_34 = arith.addf %dot_general3A_28, %mul3A_33 : vector<256x256xf32>
    %transpose3A_35 = tpu.transpose %dot_general3A_30, [1, 0] : vector<256x1xf32> -> vector<1x256xf32>
    %mul3A_36 = vector.broadcast %get3A_12 : vector<256x1xf32> to vector<256x256xf32>
    %mul3A_37 = vector.broadcast %transpose3A_35 : vector<1x256xf32> to vector<256x256xf32>
    %mul3A_38 = arith.mulf %mul3A_36, %mul3A_37 : vector<256x256xf32>
    %add3A_39 = arith.addf %add3A_34, %mul3A_38 : vector<256x256xf32>
    %transpose3A_40 = tpu.transpose %get3A_12, [1, 0] : vector<256x1xf32> -> vector<1x256xf32>
    %mul3A_41 = vector.broadcast %get3A_12 : vector<256x1xf32> to vector<256x256xf32>
    %mul3A_42 = vector.broadcast %transpose3A_40 : vector<1x256xf32> to vector<256x256xf32>
    %mul3A_43 = arith.mulf %mul3A_41, %mul3A_42 : vector<256x256xf32>
    %mul3A_44 = arith.constant 6.553600e+04 : f32
    %mul3A_45 = vector.broadcast %mul3A_44 : f32 to vector<256x256xf32>
    %mul3A_46 = arith.mulf %mul3A_45, %mul3A_43 : vector<256x256xf32>
    %add3A_47 = arith.addf %add3A_39, %mul3A_46 : vector<256x256xf32>
    %dot_general3A_48 = arith.constant dense<0.000000e+00> : vector<64x1xf32>
    %dot_general3A_49 = tpu.matmul %get3A_15, %add3A, %dot_general3A_48 {dimension_numbers = #tpu.dot_dimension_numbers<[1], [0], [0], [1], [0, 0, 1, 1], [], []>, precision = #tpu.contract_precision<fp32>, transpose_lhs_hint = false} : vector<64x256xf32>, vector<256x1xf32>, vector<64x1xf32> -> vector<64x1xf32>
    %div3A = arith.constant 6.553600e+04 : f32
    %div3A_50 = vector.broadcast %div3A : f32 to vector<64x1xf32>
    %div3A_51 = arith.divf %dot_general3A_49, %div3A_50 : vector<64x1xf32>
    %add3A_52 = arith.addf %div3A_51, %get3A_18 : vector<64x1xf32>
    %dot_general3A_53 = arith.constant dense<0.000000e+00> : vector<64x256xf32>
    %dot_general3A_54 = tpu.matmul %get3A_15, %add3A_47, %dot_general3A_53 {dimension_numbers = #tpu.dot_dimension_numbers<[1], [0], [0], [1], [0, 0, 1, 1], [], []>, precision = #tpu.contract_precision<fp32>, transpose_lhs_hint = false} : vector<64x256xf32>, vector<256x256xf32>, vector<64x256xf32> -> vector<64x256xf32>
    %mul3A_55 = arith.mulf %dot_general3A_54, %get3A_15 : vector<64x256xf32>
    %reduce_sum3A_56 = arith.constant dense<0.000000e+00> : vector<64xf32>
    %reduce_sum3A_57 = vector.multi_reduction <add>, %mul3A_55, %reduce_sum3A_56 [1] : vector<64x256xf32> to vector<64xf32>
    %broadcast_in_dim3A_58 = vector.shape_cast %reduce_sum3A_57 : vector<64xf32> to vector<64x1xf32>
    %div3A_59 = arith.constant 6.553600e+04 : f32
    %div3A_60 = vector.broadcast %div3A_59 : f32 to vector<64x1xf32>
    %div3A_61 = arith.divf %broadcast_in_dim3A_58, %div3A_60 : vector<64x1xf32>
    %mul3A_62 = arith.constant 2.000000e+00 : f32
    %mul3A_63 = vector.broadcast %mul3A_62 : f32 to vector<64x1xf32>
    %mul3A_64 = arith.mulf %mul3A_63, %get3A_18 : vector<64x1xf32>
    %dot_general3A_65 = arith.constant dense<0.000000e+00> : vector<256x1xf32>
    %dot_general3A_66 = tpu.matmul %get3A_9, %broadcast_in_dim3A, %dot_general3A_65 {dimension_numbers = #tpu.dot_dimension_numbers<[1], [0], [0], [1], [0, 0, 1, 1], [], []>, precision = #tpu.contract_precision<fp32>, transpose_lhs_hint = false} : vector<256x3xf32>, vector<3x1xf32>, vector<256x1xf32> -> vector<256x1xf32>
    %dot_general3A_67 = arith.constant dense<0.000000e+00> : vector<64x1xf32>
    %dot_general3A_68 = tpu.matmul %get3A_15, %dot_general3A_66, %dot_general3A_67 {dimension_numbers = #tpu.dot_dimension_numbers<[1], [0], [0], [1], [0, 0, 1, 1], [], []>, precision = #tpu.contract_precision<fp32>, transpose_lhs_hint = false} : vector<64x256xf32>, vector<256x1xf32>, vector<64x1xf32> -> vector<64x1xf32>
    %div3A_69 = arith.constant 6.553600e+04 : f32
    %div3A_70 = vector.broadcast %div3A_69 : f32 to vector<64x1xf32>
    %div3A_71 = arith.divf %dot_general3A_68, %div3A_70 : vector<64x1xf32>
    %mul3A_72 = arith.mulf %mul3A_64, %div3A_71 : vector<64x1xf32>
    %add3A_73 = arith.addf %div3A_61, %mul3A_72 : vector<64x1xf32>
    %mul3A_74 = arith.mulf %get3A_18, %get3A_18 : vector<64x1xf32>
    %add3A_75 = arith.addf %add3A_73, %mul3A_74 : vector<64x1xf32>
    %mul3A_76 = arith.mulf %add3A_52, %add3A_52 : vector<64x1xf32>
    %sub3A = arith.subf %add3A_75, %mul3A_76 : vector<64x1xf32>
    %get3A_77 = arith.constant 0 : index
    %get3A_78 = arith.constant 0 : index
    %get3A_79 = vector.load %arg7[%get3A_77, %get3A_78] : memref<64x1xf32, #tpu.memory_space<vmem>>, vector<64x1xf32>
    %add3A_80 = arith.constant 9.99999974E-6 : f32
    %add3A_81 = vector.broadcast %add3A_80 : f32 to vector<64x1xf32>
    %add3A_82 = arith.addf %sub3A, %add3A_81 : vector<64x1xf32>
    %sqrt3A = math.sqrt %add3A_82 : vector<64x1xf32>
    %div3A_83 = arith.divf %get3A_79, %sqrt3A : vector<64x1xf32>
    %get3A_84 = arith.constant 0 : index
    %get3A_85 = arith.constant 0 : index
    %get3A_86 = vector.load %arg8[%get3A_84, %get3A_85] : memref<64x1xf32, #tpu.memory_space<vmem>>, vector<64x1xf32>
    %mul3A_87 = arith.mulf %add3A_52, %div3A_83 : vector<64x1xf32>
    %sub3A_88 = arith.subf %get3A_86, %mul3A_87 : vector<64x1xf32>
    %swap3A = arith.constant 0 : index
    %swap3A_89 = arith.constant 0 : index
    %swap3A_90 = vector.load %arg10[%swap3A, %swap3A_89] : memref<64x1xf32, #tpu.memory_space<vmem>>, vector<64x1xf32>
    tpu.vector_store %arg10[%swap3A, %swap3A_89], %sub3A_88 {strides = array<i32>} : memref<64x1xf32, #tpu.memory_space<vmem>>, vector<64x1xf32>,
    %swap3A_91 = arith.constant 0 : index
    %swap3A_92 = arith.constant 0 : index
    %swap3A_93 = vector.load %arg9[%swap3A_91, %swap3A_92] : memref<64x1xf32, #tpu.memory_space<vmem>>, vector<64x1xf32>
    tpu.vector_store %arg9[%swap3A_91, %swap3A_92], %div3A_83 {strides = array<i32>} : memref<64x1xf32, #tpu.memory_space<vmem>>, vector<64x1xf32>,
    return
  }
}

module attributes {stable_mosaic.version = 14 : i64} {
  func.func @_b_kernel(%arg0: i32, %arg1: i32, %arg2: memref<4096xf32, #tpu.memory_space<vmem>>, %arg3: memref<4096xf32, #tpu.memory_space<vmem>>, %arg4: memref<4096xf32, #tpu.memory_space<vmem>>, %arg5: memref<1x128x4096xf32, #tpu.memory_space<vmem>>, %arg6: memref<256x3xf32, #tpu.memory_space<vmem>>, %arg7: memref<256x1xf32, #tpu.memory_space<vmem>>, %arg8: memref<64x3xf32, #tpu.memory_space<vmem>>, %arg9: memref<64x1xf32, #tpu.memory_space<vmem>>, %arg10: memref<256x128xf32, #tpu.memory_space<vmem>>, %arg11: memref<256x1xf32, #tpu.memory_space<vmem>>, %arg12: memref<64x1xf32, #tpu.memory_space<vmem>>, %arg13: memref<64x1xf32, #tpu.memory_space<vmem>>, %arg14: memref<256x64xf32, #tpu.memory_space<vmem>>, %arg15: memref<256x1xf32, #tpu.memory_space<vmem>>, %arg16: memref<1x256x4096xbf16, #tpu.memory_space<vmem>>, %arg17: memref<1x256x4096xbf16, #tpu.memory_space<vmem>>, %arg18: memref<256x256xf32, #tpu.memory_space<vmem>>, %arg19: memref<256x1xf32, #tpu.memory_space<vmem>>) attributes {dimension_semantics = [#tpu.dimension_semantics<arbitrary>, #tpu.dimension_semantics<arbitrary>], iteration_bounds = array<i64: 2, 8>, scalar_prefetch = 0 : i64, scratch_operands = 0 : i64, tpu.core_type = #tpu.core_type<tc>, window_params = [{transform_indices = @transform_0, window_bounds = array<i64: 4096>}, {transform_indices = @transform_1, window_bounds = array<i64: 4096>}, {transform_indices = @transform_2, window_bounds = array<i64: 4096>}, {transform_indices = @transform_3, window_bounds = array<i64: 1, 128, 4096>}, {pipeline_mode = #tpu.pipeline_mode<synchronous>, transform_indices = @transform_4, window_bounds = array<i64: 256, 3>}, {pipeline_mode = #tpu.pipeline_mode<synchronous>, transform_indices = @transform_5, window_bounds = array<i64: 256, 1>}, {pipeline_mode = #tpu.pipeline_mode<synchronous>, transform_indices = @transform_6, window_bounds = array<i64: 64, 3>}, {pipeline_mode = #tpu.pipeline_mode<synchronous>, transform_indices = @transform_7, window_bounds = array<i64: 64, 1>}, {pipeline_mode = #tpu.pipeline_mode<synchronous>, transform_indices = @transform_8, window_bounds = array<i64: 256, 128>}, {pipeline_mode = #tpu.pipeline_mode<synchronous>, transform_indices = @transform_9, window_bounds = array<i64: 256, 1>}, {pipeline_mode = #tpu.pipeline_mode<synchronous>, transform_indices = @transform_10, window_bounds = array<i64: 64, 1>}, {pipeline_mode = #tpu.pipeline_mode<synchronous>, transform_indices = @transform_11, window_bounds = array<i64: 64, 1>}, {pipeline_mode = #tpu.pipeline_mode<synchronous>, transform_indices = @transform_12, window_bounds = array<i64: 256, 64>}, {pipeline_mode = #tpu.pipeline_mode<synchronous>, transform_indices = @transform_13, window_bounds = array<i64: 256, 1>}, {transform_indices = @transform_14, window_bounds = array<i64: 1, 256, 4096>}, {transform_indices = @transform_15, window_bounds = array<i64: 1, 256, 4096>}, {pipeline_mode = #tpu.pipeline_mode<synchronous>, transform_indices = @transform_16, window_bounds = array<i64: 256, 256>}, {pipeline_mode = #tpu.pipeline_mode<synchronous>, transform_indices = @transform_17, window_bounds = array<i64: 256, 1>}]} {
    %get3A = arith.constant 0 : index
    %get3A_0 = vector.load %arg2[%get3A] : memref<4096xf32, #tpu.memory_space<vmem>>, vector<4096xf32>
    %reshape3A = vector.shape_cast %get3A_0 : vector<4096xf32> to vector<1x4096xf32>
    %get3A_1 = arith.constant 0 : index
    %get3A_2 = vector.load %arg3[%get3A_1] : memref<4096xf32, #tpu.memory_space<vmem>>, vector<4096xf32>
    %reshape3A_3 = vector.shape_cast %get3A_2 : vector<4096xf32> to vector<1x4096xf32>
    %get3A_4 = arith.constant 0 : index
    %get3A_5 = vector.load %arg4[%get3A_4] : memref<4096xf32, #tpu.memory_space<vmem>>, vector<4096xf32>
    %reshape3A_6 = vector.shape_cast %get3A_5 : vector<4096xf32> to vector<1x4096xf32>
    %concatenate3A = tpu.concatenate %reshape3A, %reshape3A_3, %reshape3A_6 in 0 : vector<1x4096xf32>, vector<1x4096xf32>, vector<1x4096xf32> -> vector<3x4096xf32>
    %get3A_7 = arith.constant 0 : index
    %get3A_8 = arith.constant 0 : index
    %get3A_9 = vector.load %arg6[%get3A_7, %get3A_8] : memref<256x3xf32, #tpu.memory_space<vmem>>, vector<256x3xf32>
    %dot_general3A = arith.constant dense<0.000000e+00> : vector<256x4096xf32>
    %dot_general3A_10 = tpu.matmul %get3A_9, %concatenate3A, %dot_general3A {dimension_numbers = #tpu.dot_dimension_numbers<[1], [0], [0], [1], [0, 0, 1, 1], [], []>, precision = #tpu.contract_precision<fp32>, transpose_lhs_hint = false} : vector<256x3xf32>, vector<3x4096xf32>, vector<256x4096xf32> -> vector<256x4096xf32>
    %get3A_11 = arith.constant 0 : index
    %get3A_12 = arith.constant 0 : index
    %get3A_13 = vector.load %arg7[%get3A_11, %get3A_12] : memref<256x1xf32, #tpu.memory_space<vmem>>, vector<256x1xf32>
    %add3A = vector.broadcast %get3A_13 : vector<256x1xf32> to vector<256x4096xf32>
    %add3A_14 = arith.addf %dot_general3A_10, %add3A : vector<256x4096xf32>
    %get3A_15 = arith.constant 0 : index
    %get3A_16 = arith.constant 0 : index
    %get3A_17 = vector.load %arg8[%get3A_15, %get3A_16] : memref<64x3xf32, #tpu.memory_space<vmem>>, vector<64x3xf32>
    %dot_general3A_18 = arith.constant dense<0.000000e+00> : vector<64x4096xf32>
    %dot_general3A_19 = tpu.matmul %get3A_17, %concatenate3A, %dot_general3A_18 {dimension_numbers = #tpu.dot_dimension_numbers<[1], [0], [0], [1], [0, 0, 1, 1], [], []>, precision = #tpu.contract_precision<fp32>, transpose_lhs_hint = false} : vector<64x3xf32>, vector<3x4096xf32>, vector<64x4096xf32> -> vector<64x4096xf32>
    %get3A_20 = arith.constant 0 : index
    %get3A_21 = arith.constant 0 : index
    %get3A_22 = vector.load %arg9[%get3A_20, %get3A_21] : memref<64x1xf32, #tpu.memory_space<vmem>>, vector<64x1xf32>
    %add3A_23 = vector.broadcast %get3A_22 : vector<64x1xf32> to vector<64x4096xf32>
    %add3A_24 = arith.addf %dot_general3A_19, %add3A_23 : vector<64x4096xf32>
    %get3A_25 = arith.constant 0 : index
    %get3A_26 = arith.constant 0 : index
    %get3A_27 = vector.load %arg12[%get3A_25, %get3A_26] : memref<64x1xf32, #tpu.memory_space<vmem>>, vector<64x1xf32>
    %mul3A = vector.broadcast %get3A_27 : vector<64x1xf32> to vector<64x4096xf32>
    %mul3A_28 = arith.mulf %add3A_24, %mul3A : vector<64x4096xf32>
    %get3A_29 = arith.constant 0 : index
    %get3A_30 = arith.constant 0 : index
    %get3A_31 = vector.load %arg13[%get3A_29, %get3A_30] : memref<64x1xf32, #tpu.memory_space<vmem>>, vector<64x1xf32>
    %add3A_32 = vector.broadcast %get3A_31 : vector<64x1xf32> to vector<64x4096xf32>
    %add3A_33 = arith.addf %mul3A_28, %add3A_32 : vector<64x4096xf32>
    %max3A = arith.constant 0.000000e+00 : f32
    %max3A_34 = vector.broadcast %max3A : f32 to vector<64x4096xf32>
    %max3A_35 = arith.maximumf %add3A_33, %max3A_34 : vector<64x4096xf32>
    %get3A_36 = arith.constant 0 : index
    %get3A_37 = arith.constant 0 : index
    %get3A_38 = vector.load %arg14[%get3A_36, %get3A_37] : memref<256x64xf32, #tpu.memory_space<vmem>>, vector<256x64xf32>
    %convert_element_type3A = arith.truncf %get3A_38 : vector<256x64xf32> to vector<256x64xbf16>
    %convert_element_type3A_39 = arith.truncf %max3A_35 : vector<64x4096xf32> to vector<64x4096xbf16>
    %dot_general3A_40 = arith.constant dense<0.000000e+00> : vector<256x4096xf32>
    %dot_general3A_41 = tpu.matmul %convert_element_type3A, %convert_element_type3A_39, %dot_general3A_40 {dimension_numbers = #tpu.dot_dimension_numbers<[1], [0], [0], [1], [0, 0, 1, 1], [], []>, transpose_lhs_hint = false} : vector<256x64xbf16>, vector<64x4096xbf16>, vector<256x4096xf32> -> vector<256x4096xf32>
    %get3A_42 = arith.constant 0 : index
    %get3A_43 = arith.constant 0 : index
    %get3A_44 = vector.load %arg15[%get3A_42, %get3A_43] : memref<256x1xf32, #tpu.memory_space<vmem>>, vector<256x1xf32>
    %add3A_45 = vector.broadcast %get3A_44 : vector<256x1xf32> to vector<256x4096xf32>
    %add3A_46 = arith.addf %dot_general3A_41, %add3A_45 : vector<256x4096xf32>
    %get3A_47 = arith.constant 0 : index
    %get3A_48 = arith.constant 0 : index
    %get3A_49 = vector.load %arg10[%get3A_47, %get3A_48] : memref<256x128xf32, #tpu.memory_space<vmem>>, vector<256x128xf32>
    %get3A_50 = arith.constant 0 : index
    %get3A_51 = arith.constant 0 : index
    %get3A_52 = arith.constant 0 : index
    %get3A_53 = vector.load %arg5[%get3A_50, %get3A_51, %get3A_52] : memref<1x128x4096xf32, #tpu.memory_space<vmem>>, vector<1x128x4096xf32>
    %get3A_54 = vector.shape_cast %get3A_53 : vector<1x128x4096xf32> to vector<128x4096xf32>
    %convert_element_type3A_55 = arith.truncf %get3A_49 : vector<256x128xf32> to vector<256x128xbf16>
    %convert_element_type3A_56 = arith.truncf %get3A_54 : vector<128x4096xf32> to vector<128x4096xbf16>
    %dot_general3A_57 = arith.constant dense<0.000000e+00> : vector<256x4096xf32>
    %dot_general3A_58 = tpu.matmul %convert_element_type3A_55, %convert_element_type3A_56, %dot_general3A_57 {dimension_numbers = #tpu.dot_dimension_numbers<[1], [0], [0], [1], [0, 0, 1, 1], [], []>, transpose_lhs_hint = false} : vector<256x128xbf16>, vector<128x4096xbf16>, vector<256x4096xf32> -> vector<256x4096xf32>
    %get3A_59 = arith.constant 0 : index
    %get3A_60 = arith.constant 0 : index
    %get3A_61 = vector.load %arg11[%get3A_59, %get3A_60] : memref<256x1xf32, #tpu.memory_space<vmem>>, vector<256x1xf32>
    %add3A_62 = vector.broadcast %get3A_61 : vector<256x1xf32> to vector<256x4096xf32>
    %add3A_63 = arith.addf %dot_general3A_58, %add3A_62 : vector<256x4096xf32>
    %sub3A = arith.subf %add3A_14, %add3A_63 : vector<256x4096xf32>
    %mul3A_64 = arith.mulf %sub3A, %add3A_46 : vector<256x4096xf32>
    %add3A_65 = arith.addf %mul3A_64, %add3A_46 : vector<256x4096xf32>
    %convert_element_type3A_66 = arith.truncf %add3A_65 : vector<256x4096xf32> to vector<256x4096xbf16>
    %swap3A = arith.constant 0 : index
    %swap3A_67 = arith.constant 0 : index
    %swap3A_68 = arith.constant 0 : index
    %swap3A_69 = vector.load %arg16[%swap3A, %swap3A_67, %swap3A_68] : memref<1x256x4096xbf16, #tpu.memory_space<vmem>>, vector<1x256x4096xbf16>
    %swap3A_70 = vector.shape_cast %swap3A_69 : vector<1x256x4096xbf16> to vector<256x4096xbf16>
    %swap3A_71 = vector.shape_cast %convert_element_type3A_66 : vector<256x4096xbf16> to vector<1x256x4096xbf16>
    tpu.vector_store %arg16[%swap3A, %swap3A_67, %swap3A_68], %swap3A_71 {strides = array<i32>} : memref<1x256x4096xbf16, #tpu.memory_space<vmem>>, vector<1x256x4096xbf16>,
    %convert_element_type3A_72 = arith.truncf %add3A_46 : vector<256x4096xf32> to vector<256x4096xbf16>
    %swap3A_73 = arith.constant 0 : index
    %swap3A_74 = arith.constant 0 : index
    %swap3A_75 = arith.constant 0 : index
    %swap3A_76 = vector.load %arg17[%swap3A_73, %swap3A_74, %swap3A_75] : memref<1x256x4096xbf16, #tpu.memory_space<vmem>>, vector<1x256x4096xbf16>
    %swap3A_77 = vector.shape_cast %swap3A_76 : vector<1x256x4096xbf16> to vector<256x4096xbf16>
    %swap3A_78 = vector.shape_cast %convert_element_type3A_72 : vector<256x4096xbf16> to vector<1x256x4096xbf16>
    tpu.vector_store %arg17[%swap3A_73, %swap3A_74, %swap3A_75], %swap3A_78 {strides = array<i32>} : memref<1x256x4096xbf16, #tpu.memory_space<vmem>>, vector<1x256x4096xbf16>,
    %eq3A = arith.constant 0 : i32
    %eq3A_79 = arith.cmpi eq, %arg0, %eq3A : i32
    %eq3A_80 = arith.constant 0 : i32
    %eq3A_81 = arith.cmpi eq, %arg1, %eq3A_80 : i32
    %and3A = arith.andi %eq3A_79, %eq3A_81 : i1
    %convert_element_type3A_82 = arith.extui %and3A : i1 to i32
    %cond3A = arith.constant 0 : i32
    %cond3A_83 = arith.cmpi ne, %convert_element_type3A_82, %cond3A : i32
    scf.if %cond3A_83 {
      %broadcast_in_dim3A_103 = arith.constant 0.000000e+00 : f32
      %broadcast_in_dim3A_104 = vector.broadcast %broadcast_in_dim3A_103 : f32 to vector<256x256xf32>
      %swap3A_105 = arith.constant 0 : index
      %swap3A_106 = arith.constant 0 : index
      %swap3A_107 = vector.load %arg18[%swap3A_105, %swap3A_106] : memref<256x256xf32, #tpu.memory_space<vmem>>, vector<256x256xf32>
      tpu.vector_store %arg18[%swap3A_105, %swap3A_106], %broadcast_in_dim3A_104 {strides = array<i32>} : memref<256x256xf32, #tpu.memory_space<vmem>>, vector<256x256xf32>,
      %broadcast_in_dim3A_108 = arith.constant 0.000000e+00 : f32
      %broadcast_in_dim3A_109 = vector.broadcast %broadcast_in_dim3A_108 : f32 to vector<256x1xf32>
      %swap3A_110 = arith.constant 0 : index
      %swap3A_111 = arith.constant 0 : index
      %swap3A_112 = vector.load %arg19[%swap3A_110, %swap3A_111] : memref<256x1xf32, #tpu.memory_space<vmem>>, vector<256x1xf32>
      tpu.vector_store %arg19[%swap3A_110, %swap3A_111], %broadcast_in_dim3A_109 {strides = array<i32>} : memref<256x1xf32, #tpu.memory_space<vmem>>, vector<256x1xf32>,
    } else {
    }
    %get3A_84 = arith.constant 0 : index
    %get3A_85 = arith.constant 0 : index
    %get3A_86 = vector.load %arg18[%get3A_84, %get3A_85] : memref<256x256xf32, #tpu.memory_space<vmem>>, vector<256x256xf32>
    %convert_element_type3A_87 = arith.truncf %add3A_65 : vector<256x4096xf32> to vector<256x4096xbf16>
    %convert_element_type3A_88 = arith.truncf %add3A_65 : vector<256x4096xf32> to vector<256x4096xbf16>
    %dot_general3A_89 = arith.constant dense<0.000000e+00> : vector<256x256xf32>
    %dot_general3A_90 = tpu.matmul %convert_element_type3A_87, %convert_element_type3A_88, %dot_general3A_89 {dimension_numbers = #tpu.dot_dimension_numbers<[1], [1], [0], [0], [0, 0, 1, 0], [], []>, transpose_lhs_hint = false} : vector<256x4096xbf16>, vector<256x4096xbf16>, vector<256x256xf32> -> vector<256x256xf32>
    %add3A_91 = arith.addf %get3A_86, %dot_general3A_90 : vector<256x256xf32>
    %swap3A_92 = arith.constant 0 : index
    %swap3A_93 = arith.constant 0 : index
    %swap3A_94 = vector.load %arg18[%swap3A_92, %swap3A_93] : memref<256x256xf32, #tpu.memory_space<vmem>>, vector<256x256xf32>
    tpu.vector_store %arg18[%swap3A_92, %swap3A_93], %add3A_91 {strides = array<i32>} : memref<256x256xf32, #tpu.memory_space<vmem>>, vector<256x256xf32>,
    %get3A_95 = arith.constant 0 : index
    %get3A_96 = arith.constant 0 : index
    %get3A_97 = vector.load %arg19[%get3A_95, %get3A_96] : memref<256x1xf32, #tpu.memory_space<vmem>>, vector<256x1xf32>
    %reduce_sum3A = arith.constant dense<0.000000e+00> : vector<256xf32>
    %reduce_sum3A_98 = vector.multi_reduction <add>, %add3A_65, %reduce_sum3A [1] : vector<256x4096xf32> to vector<256xf32>
    %broadcast_in_dim3A = vector.shape_cast %reduce_sum3A_98 : vector<256xf32> to vector<256x1xf32>
    %add3A_99 = arith.addf %get3A_97, %broadcast_in_dim3A : vector<256x1xf32>
    %swap3A_100 = arith.constant 0 : index
    %swap3A_101 = arith.constant 0 : index
    %swap3A_102 = vector.load %arg19[%swap3A_100, %swap3A_101] : memref<256x1xf32, #tpu.memory_space<vmem>>, vector<256x1xf32>
    tpu.vector_store %arg19[%swap3A_100, %swap3A_101], %add3A_99 {strides = array<i32>} : memref<256x1xf32, #tpu.memory_space<vmem>>, vector<256x1xf32>,
    return
  }
  func.func @transform_0(%arg0: i32, %arg1: i32) -> i32 {
    %mul3A = arith.constant 8 : i32
    %mul3A_0 = arith.muli %arg0, %mul3A : i32
    %add3A = arith.addi %mul3A_0, %arg1 : i32
    %c0_i32 = arith.constant 0 : i32
    return %add3A : i32
  }
  func.func @transform_1(%arg0: i32, %arg1: i32) -> i32 {
    %mul3A = arith.constant 8 : i32
    %mul3A_0 = arith.muli %arg0, %mul3A : i32
    %add3A = arith.addi %mul3A_0, %arg1 : i32
    %c0_i32 = arith.constant 0 : i32
    return %add3A : i32
  }
  func.func @transform_2(%arg0: i32, %arg1: i32) -> i32 {
    %mul3A = arith.constant 8 : i32
    %mul3A_0 = arith.muli %arg0, %mul3A : i32
    %add3A = arith.addi %mul3A_0, %arg1 : i32
    %c0_i32 = arith.constant 0 : i32
    return %add3A : i32
  }
  func.func @transform_3(%arg0: i32, %arg1: i32) -> (i32, i32, i32) {
    %c0_i32 = arith.constant 0 : i32
    %c0_i32_0 = arith.constant 0 : i32
    return %arg0, %c0_i32, %arg1 : i32, i32, i32
  }
  func.func @transform_4(%arg0: i32, %arg1: i32) -> (i32, i32) {
    %c0_i32 = arith.constant 0 : i32
    %c0_i32_0 = arith.constant 0 : i32
    %c0_i32_1 = arith.constant 0 : i32
    return %c0_i32, %c0_i32_0 : i32, i32
  }
  func.func @transform_5(%arg0: i32, %arg1: i32) -> (i32, i32) {
    %c0_i32 = arith.constant 0 : i32
    %c0_i32_0 = arith.constant 0 : i32
    %c0_i32_1 = arith.constant 0 : i32
    return %c0_i32, %c0_i32_0 : i32, i32
  }
  func.func @transform_6(%arg0: i32, %arg1: i32) -> (i32, i32) {
    %c0_i32 = arith.constant 0 : i32
    %c0_i32_0 = arith.constant 0 : i32
    %c0_i32_1 = arith.constant 0 : i32
    return %c0_i32, %c0_i32_0 : i32, i32
  }
  func.func @transform_7(%arg0: i32, %arg1: i32) -> (i32, i32) {
    %c0_i32 = arith.constant 0 : i32
    %c0_i32_0 = arith.constant 0 : i32
    %c0_i32_1 = arith.constant 0 : i32
    return %c0_i32, %c0_i32_0 : i32, i32
  }
  func.func @transform_8(%arg0: i32, %arg1: i32) -> (i32, i32) {
    %c0_i32 = arith.constant 0 : i32
    %c0_i32_0 = arith.constant 0 : i32
    %c0_i32_1 = arith.constant 0 : i32
    return %c0_i32, %c0_i32_0 : i32, i32
  }
  func.func @transform_9(%arg0: i32, %arg1: i32) -> (i32, i32) {
    %c0_i32 = arith.constant 0 : i32
    %c0_i32_0 = arith.constant 0 : i32
    %c0_i32_1 = arith.constant 0 : i32
    return %c0_i32, %c0_i32_0 : i32, i32
  }
  func.func @transform_10(%arg0: i32, %arg1: i32) -> (i32, i32) {
    %c0_i32 = arith.constant 0 : i32
    %c0_i32_0 = arith.constant 0 : i32
    %c0_i32_1 = arith.constant 0 : i32
    return %c0_i32, %c0_i32_0 : i32, i32
  }
  func.func @transform_11(%arg0: i32, %arg1: i32) -> (i32, i32) {
    %c0_i32 = arith.constant 0 : i32
    %c0_i32_0 = arith.constant 0 : i32
    %c0_i32_1 = arith.constant 0 : i32
    return %c0_i32, %c0_i32_0 : i32, i32
  }
  func.func @transform_12(%arg0: i32, %arg1: i32) -> (i32, i32) {
    %c0_i32 = arith.constant 0 : i32
    %c0_i32_0 = arith.constant 0 : i32
    %c0_i32_1 = arith.constant 0 : i32
    return %c0_i32, %c0_i32_0 : i32, i32
  }
  func.func @transform_13(%arg0: i32, %arg1: i32) -> (i32, i32) {
    %c0_i32 = arith.constant 0 : i32
    %c0_i32_0 = arith.constant 0 : i32
    %c0_i32_1 = arith.constant 0 : i32
    return %c0_i32, %c0_i32_0 : i32, i32
  }
  func.func @transform_14(%arg0: i32, %arg1: i32) -> (i32, i32, i32) {
    %c0_i32 = arith.constant 0 : i32
    %c0_i32_0 = arith.constant 0 : i32
    return %arg0, %c0_i32, %arg1 : i32, i32, i32
  }
  func.func @transform_15(%arg0: i32, %arg1: i32) -> (i32, i32, i32) {
    %c0_i32 = arith.constant 0 : i32
    %c0_i32_0 = arith.constant 0 : i32
    return %arg0, %c0_i32, %arg1 : i32, i32, i32
  }
  func.func @transform_16(%arg0: i32, %arg1: i32) -> (i32, i32) {
    %c0_i32 = arith.constant 0 : i32
    %c0_i32_0 = arith.constant 0 : i32
    %c0_i32_1 = arith.constant 0 : i32
    return %c0_i32, %c0_i32_0 : i32, i32
  }
  func.func @transform_17(%arg0: i32, %arg1: i32) -> (i32, i32) {
    %c0_i32 = arith.constant 0 : i32
    %c0_i32_0 = arith.constant 0 : i32
    %c0_i32_1 = arith.constant 0 : i32
    return %c0_i32, %c0_i32_0 : i32, i32
  }
}

module attributes {stable_mosaic.version = 14 : i64} {
  func.func @_lambda_(%arg0: memref<256x256xf32, #tpu.memory_space<vmem>>, %arg1: memref<256x1xf32, #tpu.memory_space<vmem>>, %arg2: memref<1024x256xf32, #tpu.memory_space<vmem>>, %arg3: memref<1024x1xf32, #tpu.memory_space<vmem>>, %arg4: memref<1024x1xf32, #tpu.memory_space<vmem>>, %arg5: memref<1024x1xf32, #tpu.memory_space<vmem>>, %arg6: memref<1024x1xf32, #tpu.memory_space<vmem>>, %arg7: memref<1024x1xf32, #tpu.memory_space<vmem>>) attributes {dimension_semantics = [], scalar_prefetch = 0 : i64, scratch_operands = 0 : i64, tpu.core_type = #tpu.core_type<tc>} {
    %get3A = arith.constant 0 : index
    %get3A_0 = arith.constant 0 : index
    %get3A_1 = vector.load %arg2[%get3A, %get3A_0] : memref<1024x256xf32, #tpu.memory_space<vmem>>, vector<1024x256xf32>
    %get3A_2 = arith.constant 0 : index
    %get3A_3 = arith.constant 0 : index
    %get3A_4 = vector.load %arg3[%get3A_2, %get3A_3] : memref<1024x1xf32, #tpu.memory_space<vmem>>, vector<1024x1xf32>
    %get3A_5 = arith.constant 0 : index
    %get3A_6 = arith.constant 0 : index
    %get3A_7 = vector.load %arg1[%get3A_5, %get3A_6] : memref<256x1xf32, #tpu.memory_space<vmem>>, vector<256x1xf32>
    %dot_general3A = arith.constant dense<0.000000e+00> : vector<1024x1xf32>
    %dot_general3A_8 = tpu.matmul %get3A_1, %get3A_7, %dot_general3A {dimension_numbers = #tpu.dot_dimension_numbers<[1], [0], [0], [1], [0, 0, 1, 1], [], []>, precision = #tpu.contract_precision<fp32>, transpose_lhs_hint = false} : vector<1024x256xf32>, vector<256x1xf32>, vector<1024x1xf32> -> vector<1024x1xf32>
    %div3A = arith.constant 6.553600e+04 : f32
    %div3A_9 = vector.broadcast %div3A : f32 to vector<1024x1xf32>
    %div3A_10 = arith.divf %dot_general3A_8, %div3A_9 : vector<1024x1xf32>
    %add3A = arith.addf %div3A_10, %get3A_4 : vector<1024x1xf32>
    %get3A_11 = arith.constant 0 : index
    %get3A_12 = arith.constant 0 : index
    %get3A_13 = vector.load %arg0[%get3A_11, %get3A_12] : memref<256x256xf32, #tpu.memory_space<vmem>>, vector<256x256xf32>
    %dot_general3A_14 = arith.constant dense<0.000000e+00> : vector<1024x256xf32>
    %dot_general3A_15 = tpu.matmul %get3A_1, %get3A_13, %dot_general3A_14 {dimension_numbers = #tpu.dot_dimension_numbers<[1], [0], [0], [1], [0, 0, 1, 1], [], []>, precision = #tpu.contract_precision<fp32>, transpose_lhs_hint = false} : vector<1024x256xf32>, vector<256x256xf32>, vector<1024x256xf32> -> vector<1024x256xf32>
    %mul3A = arith.mulf %dot_general3A_15, %get3A_1 : vector<1024x256xf32>
    %reduce_sum3A = arith.constant dense<0.000000e+00> : vector<1024xf32>
    %reduce_sum3A_16 = vector.multi_reduction <add>, %mul3A, %reduce_sum3A [1] : vector<1024x256xf32> to vector<1024xf32>
    %broadcast_in_dim3A = vector.shape_cast %reduce_sum3A_16 : vector<1024xf32> to vector<1024x1xf32>
    %div3A_17 = arith.constant 6.553600e+04 : f32
    %div3A_18 = vector.broadcast %div3A_17 : f32 to vector<1024x1xf32>
    %div3A_19 = arith.divf %broadcast_in_dim3A, %div3A_18 : vector<1024x1xf32>
    %mul3A_20 = arith.constant 2.000000e+00 : f32
    %mul3A_21 = vector.broadcast %mul3A_20 : f32 to vector<1024x1xf32>
    %mul3A_22 = arith.mulf %mul3A_21, %get3A_4 : vector<1024x1xf32>
    %div3A_23 = arith.constant 6.553600e+04 : f32
    %div3A_24 = vector.broadcast %div3A_23 : f32 to vector<1024x1xf32>
    %div3A_25 = arith.divf %dot_general3A_8, %div3A_24 : vector<1024x1xf32>
    %mul3A_26 = arith.mulf %mul3A_22, %div3A_25 : vector<1024x1xf32>
    %add3A_27 = arith.addf %div3A_19, %mul3A_26 : vector<1024x1xf32>
    %mul3A_28 = arith.mulf %get3A_4, %get3A_4 : vector<1024x1xf32>
    %add3A_29 = arith.addf %add3A_27, %mul3A_28 : vector<1024x1xf32>
    %mul3A_30 = arith.mulf %add3A, %add3A : vector<1024x1xf32>
    %sub3A = arith.subf %add3A_29, %mul3A_30 : vector<1024x1xf32>
    %get3A_31 = arith.constant 0 : index
    %get3A_32 = arith.constant 0 : index
    %get3A_33 = vector.load %arg4[%get3A_31, %get3A_32] : memref<1024x1xf32, #tpu.memory_space<vmem>>, vector<1024x1xf32>
    %add3A_34 = arith.constant 9.99999974E-6 : f32
    %add3A_35 = vector.broadcast %add3A_34 : f32 to vector<1024x1xf32>
    %add3A_36 = arith.addf %sub3A, %add3A_35 : vector<1024x1xf32>
    %sqrt3A = math.sqrt %add3A_36 : vector<1024x1xf32>
    %div3A_37 = arith.divf %get3A_33, %sqrt3A : vector<1024x1xf32>
    %get3A_38 = arith.constant 0 : index
    %get3A_39 = arith.constant 0 : index
    %get3A_40 = vector.load %arg5[%get3A_38, %get3A_39] : memref<1024x1xf32, #tpu.memory_space<vmem>>, vector<1024x1xf32>
    %mul3A_41 = arith.mulf %add3A, %div3A_37 : vector<1024x1xf32>
    %sub3A_42 = arith.subf %get3A_40, %mul3A_41 : vector<1024x1xf32>
    %swap3A = arith.constant 0 : index
    %swap3A_43 = arith.constant 0 : index
    %swap3A_44 = vector.load %arg7[%swap3A, %swap3A_43] : memref<1024x1xf32, #tpu.memory_space<vmem>>, vector<1024x1xf32>
    tpu.vector_store %arg7[%swap3A, %swap3A_43], %sub3A_42 {strides = array<i32>} : memref<1024x1xf32, #tpu.memory_space<vmem>>, vector<1024x1xf32>,
    %swap3A_45 = arith.constant 0 : index
    %swap3A_46 = arith.constant 0 : index
    %swap3A_47 = vector.load %arg6[%swap3A_45, %swap3A_46] : memref<1024x1xf32, #tpu.memory_space<vmem>>, vector<1024x1xf32>
    tpu.vector_store %arg6[%swap3A_45, %swap3A_46], %div3A_37 {strides = array<i32>} : memref<1024x1xf32, #tpu.memory_space<vmem>>, vector<1024x1xf32>,
    return
  }
}

module attributes {stable_mosaic.version = 14 : i64} {
  func.func @_lambda_(%arg0: i32, %arg1: i32, %arg2: memref<1x256x4096xbf16, #tpu.memory_space<vmem>>, %arg3: memref<1x256x4096xbf16, #tpu.memory_space<vmem>>, %arg4: memref<1x128x4096xf32, #tpu.memory_space<vmem>>, %arg5: memref<1024x256xf32, #tpu.memory_space<vmem>>, %arg6: memref<1024x1xf32, #tpu.memory_space<vmem>>, %arg7: memref<1024x1xf32, #tpu.memory_space<vmem>>, %arg8: memref<1024x1xf32, #tpu.memory_space<vmem>>, %arg9: memref<256x1024xf32, #tpu.memory_space<vmem>>, %arg10: memref<256x1xf32, #tpu.memory_space<vmem>>, %arg11: memref<256x128xf32, #tpu.memory_space<vmem>>, %arg12: memref<256x1xf32, #tpu.memory_space<vmem>>, %arg13: memref<256x256xf32, #tpu.memory_space<vmem>>, %arg14: memref<256x1xf32, #tpu.memory_space<vmem>>, %arg15: memref<1x256x256xf32, #tpu.memory_space<vmem>>) attributes {dimension_semantics = [#tpu.dimension_semantics<arbitrary>, #tpu.dimension_semantics<arbitrary>], iteration_bounds = array<i64: 2, 8>, scalar_prefetch = 0 : i64, scratch_operands = 0 : i64, tpu.core_type = #tpu.core_type<tc>, window_params = [{transform_indices = @transform_0, window_bounds = array<i64: 1, 256, 4096>}, {transform_indices = @transform_1, window_bounds = array<i64: 1, 256, 4096>}, {transform_indices = @transform_2, window_bounds = array<i64: 1, 128, 4096>}, {pipeline_mode = #tpu.pipeline_mode<synchronous>, transform_indices = @transform_3, window_bounds = array<i64: 1024, 256>}, {pipeline_mode = #tpu.pipeline_mode<synchronous>, transform_indices = @transform_4, window_bounds = array<i64: 1024, 1>}, {pipeline_mode = #tpu.pipeline_mode<synchronous>, transform_indices = @transform_5, window_bounds = array<i64: 1024, 1>}, {pipeline_mode = #tpu.pipeline_mode<synchronous>, transform_indices = @transform_6, window_bounds = array<i64: 1024, 1>}, {pipeline_mode = #tpu.pipeline_mode<synchronous>, transform_indices = @transform_7, window_bounds = array<i64: 256, 1024>}, {pipeline_mode = #tpu.pipeline_mode<synchronous>, transform_indices = @transform_8, window_bounds = array<i64: 256, 1>}, {pipeline_mode = #tpu.pipeline_mode<synchronous>, transform_indices = @transform_9, window_bounds = array<i64: 256, 128>}, {pipeline_mode = #tpu.pipeline_mode<synchronous>, transform_indices = @transform_10, window_bounds = array<i64: 256, 1>}, {pipeline_mode = #tpu.pipeline_mode<synchronous>, transform_indices = @transform_11, window_bounds = array<i64: 256, 256>}, {pipeline_mode = #tpu.pipeline_mode<synchronous>, transform_indices = @transform_12, window_bounds = array<i64: 256, 1>}, {transform_indices = @transform_13, window_bounds = array<i64: 1, 256, 256>}]} {
    %get3A = arith.constant 0 : index
    %get3A_0 = arith.constant 0 : index
    %get3A_1 = arith.constant 0 : index
    %get3A_2 = vector.load %arg2[%get3A, %get3A_0, %get3A_1] : memref<1x256x4096xbf16, #tpu.memory_space<vmem>>, vector<1x256x4096xbf16>
    %get3A_3 = vector.shape_cast %get3A_2 : vector<1x256x4096xbf16> to vector<256x4096xbf16>
    %get3A_4 = arith.constant 0 : index
    %get3A_5 = arith.constant 0 : index
    %get3A_6 = vector.load %arg5[%get3A_4, %get3A_5] : memref<1024x256xf32, #tpu.memory_space<vmem>>, vector<1024x256xf32>
    %convert_element_type3A = arith.truncf %get3A_6 : vector<1024x256xf32> to vector<1024x256xbf16>
    %dot_general3A = arith.constant dense<0.000000e+00> : vector<1024x4096xf32>
    %dot_general3A_7 = tpu.matmul %convert_element_type3A, %get3A_3, %dot_general3A {dimension_numbers = #tpu.dot_dimension_numbers<[1], [0], [0], [1], [0, 0, 1, 1], [], []>, transpose_lhs_hint = false} : vector<1024x256xbf16>, vector<256x4096xbf16>, vector<1024x4096xf32> -> vector<1024x4096xf32>
    %get3A_8 = arith.constant 0 : index
    %get3A_9 = arith.constant 0 : index
    %get3A_10 = vector.load %arg6[%get3A_8, %get3A_9] : memref<1024x1xf32, #tpu.memory_space<vmem>>, vector<1024x1xf32>
    %add3A = vector.broadcast %get3A_10 : vector<1024x1xf32> to vector<1024x4096xf32>
    %add3A_11 = arith.addf %dot_general3A_7, %add3A : vector<1024x4096xf32>
    %get3A_12 = arith.constant 0 : index
    %get3A_13 = arith.constant 0 : index
    %get3A_14 = vector.load %arg7[%get3A_12, %get3A_13] : memref<1024x1xf32, #tpu.memory_space<vmem>>, vector<1024x1xf32>
    %mul3A = vector.broadcast %get3A_14 : vector<1024x1xf32> to vector<1024x4096xf32>
    %mul3A_15 = arith.mulf %add3A_11, %mul3A : vector<1024x4096xf32>
    %get3A_16 = arith.constant 0 : index
    %get3A_17 = arith.constant 0 : index
    %get3A_18 = vector.load %arg8[%get3A_16, %get3A_17] : memref<1024x1xf32, #tpu.memory_space<vmem>>, vector<1024x1xf32>
    %add3A_19 = vector.broadcast %get3A_18 : vector<1024x1xf32> to vector<1024x4096xf32>
    %add3A_20 = arith.addf %mul3A_15, %add3A_19 : vector<1024x4096xf32>
    %max3A = arith.constant 0.000000e+00 : f32
    %max3A_21 = vector.broadcast %max3A : f32 to vector<1024x4096xf32>
    %max3A_22 = arith.maximumf %add3A_20, %max3A_21 : vector<1024x4096xf32>
    %get3A_23 = arith.constant 0 : index
    %get3A_24 = arith.constant 0 : index
    %get3A_25 = vector.load %arg9[%get3A_23, %get3A_24] : memref<256x1024xf32, #tpu.memory_space<vmem>>, vector<256x1024xf32>
    %convert_element_type3A_26 = arith.truncf %get3A_25 : vector<256x1024xf32> to vector<256x1024xbf16>
    %convert_element_type3A_27 = arith.truncf %max3A_22 : vector<1024x4096xf32> to vector<1024x4096xbf16>
    %dot_general3A_28 = arith.constant dense<0.000000e+00> : vector<256x4096xf32>
    %dot_general3A_29 = tpu.matmul %convert_element_type3A_26, %convert_element_type3A_27, %dot_general3A_28 {dimension_numbers = #tpu.dot_dimension_numbers<[1], [0], [0], [1], [0, 0, 1, 1], [], []>, transpose_lhs_hint = false} : vector<256x1024xbf16>, vector<1024x4096xbf16>, vector<256x4096xf32> -> vector<256x4096xf32>
    %get3A_30 = arith.constant 0 : index
    %get3A_31 = arith.constant 0 : index
    %get3A_32 = vector.load %arg10[%get3A_30, %get3A_31] : memref<256x1xf32, #tpu.memory_space<vmem>>, vector<256x1xf32>
    %add3A_33 = vector.broadcast %get3A_32 : vector<256x1xf32> to vector<256x4096xf32>
    %add3A_34 = arith.addf %dot_general3A_29, %add3A_33 : vector<256x4096xf32>
    %exp3A = math.exp %add3A_34 : vector<256x4096xf32>
    %get3A_35 = arith.constant 0 : index
    %get3A_36 = arith.constant 0 : index
    %get3A_37 = vector.load %arg11[%get3A_35, %get3A_36] : memref<256x128xf32, #tpu.memory_space<vmem>>, vector<256x128xf32>
    %get3A_38 = arith.constant 0 : index
    %get3A_39 = arith.constant 0 : index
    %get3A_40 = arith.constant 0 : index
    %get3A_41 = vector.load %arg4[%get3A_38, %get3A_39, %get3A_40] : memref<1x128x4096xf32, #tpu.memory_space<vmem>>, vector<1x128x4096xf32>
    %get3A_42 = vector.shape_cast %get3A_41 : vector<1x128x4096xf32> to vector<128x4096xf32>
    %convert_element_type3A_43 = arith.truncf %get3A_37 : vector<256x128xf32> to vector<256x128xbf16>
    %convert_element_type3A_44 = arith.truncf %get3A_42 : vector<128x4096xf32> to vector<128x4096xbf16>
    %dot_general3A_45 = arith.constant dense<0.000000e+00> : vector<256x4096xf32>
    %dot_general3A_46 = tpu.matmul %convert_element_type3A_43, %convert_element_type3A_44, %dot_general3A_45 {dimension_numbers = #tpu.dot_dimension_numbers<[1], [0], [0], [1], [0, 0, 1, 1], [], []>, transpose_lhs_hint = false} : vector<256x128xbf16>, vector<128x4096xbf16>, vector<256x4096xf32> -> vector<256x4096xf32>
    %get3A_47 = arith.constant 0 : index
    %get3A_48 = arith.constant 0 : index
    %get3A_49 = vector.load %arg12[%get3A_47, %get3A_48] : memref<256x1xf32, #tpu.memory_space<vmem>>, vector<256x1xf32>
    %add3A_50 = vector.broadcast %get3A_49 : vector<256x1xf32> to vector<256x4096xf32>
    %add3A_51 = arith.addf %dot_general3A_46, %add3A_50 : vector<256x4096xf32>
    %get3A_52 = arith.constant 0 : index
    %get3A_53 = arith.constant 0 : index
    %get3A_54 = arith.constant 0 : index
    %get3A_55 = vector.load %arg3[%get3A_52, %get3A_53, %get3A_54] : memref<1x256x4096xbf16, #tpu.memory_space<vmem>>, vector<1x256x4096xbf16>
    %get3A_56 = vector.shape_cast %get3A_55 : vector<1x256x4096xbf16> to vector<256x4096xbf16>
    %convert_element_type3A_57 = arith.extf %get3A_56 : vector<256x4096xbf16> to vector<256x4096xf32>
    %add3A_58 = arith.addf %add3A_51, %convert_element_type3A_57 : vector<256x4096xf32>
    %iota3A = tpu.iota {dimensions = array<i32: 0>} : vector<4096x256xi32>
    %jit3A = arith.constant 16 : i32
    %div3A = vector.broadcast %jit3A : i32 to vector<4096x256xi32>
    %div3A_59 = arith.divsi %iota3A, %div3A : vector<4096x256xi32>
    %sign3A = arith.constant 0 : i32
    %sign3A_60 = vector.broadcast %sign3A : i32 to vector<4096x256xi32>
    %sign3A_61 = arith.cmpi sgt, %iota3A, %sign3A_60 : vector<4096x256xi32>
    %sign3A_62 = arith.extui %sign3A_61 : vector<4096x256xi1> to vector<4096x256xi32>
    %sign3A_63 = arith.constant 0 : i32
    %sign3A_64 = vector.broadcast %sign3A_63 : i32 to vector<4096x256xi32>
    %sign3A_65 = arith.cmpi slt, %iota3A, %sign3A_64 : vector<4096x256xi32>
    %sign3A_66 = arith.extui %sign3A_65 : vector<4096x256xi1> to vector<4096x256xi32>
    %sign3A_67 = arith.subi %sign3A_62, %sign3A_66 : vector<4096x256xi32>
    %sign3A_68 = arith.constant 0 : i32
    %sign3A_69 = arith.cmpi sgt, %jit3A, %sign3A_68 : i32
    %sign3A_70 = arith.extui %sign3A_69 : i1 to i32
    %sign3A_71 = arith.constant 0 : i32
    %sign3A_72 = arith.cmpi slt, %jit3A, %sign3A_71 : i32
    %sign3A_73 = arith.extui %sign3A_72 : i1 to i32
    %sign3A_74 = arith.subi %sign3A_70, %sign3A_73 : i32
    %ne3A = vector.broadcast %sign3A_74 : i32 to vector<4096x256xi32>
    %ne3A_75 = arith.cmpi ne, %sign3A_67, %ne3A : vector<4096x256xi32>
    %rem3A = vector.broadcast %jit3A : i32 to vector<4096x256xi32>
    %rem3A_76 = arith.remsi %iota3A, %rem3A : vector<4096x256xi32>
    %ne3A_77 = arith.constant 0 : i32
    %ne3A_78 = vector.broadcast %ne3A_77 : i32 to vector<4096x256xi32>
    %ne3A_79 = arith.cmpi ne, %rem3A_76, %ne3A_78 : vector<4096x256xi32>
    %and3A = arith.andi %ne3A_75, %ne3A_79 : vector<4096x256xi1>
    %sub3A = arith.constant 1 : i32
    %sub3A_80 = vector.broadcast %sub3A : i32 to vector<4096x256xi32>
    %sub3A_81 = arith.subi %div3A_59, %sub3A_80 : vector<4096x256xi32>
    %select_n3A = arith.select %and3A, %sub3A_81, %div3A_59 : vector<4096x256xi1>, vector<4096x256xi32>
    %iota3A_82 = tpu.iota {dimensions = array<i32: 1>} : vector<4096x256xi32>
    %eq3A = arith.cmpi eq, %select_n3A, %iota3A_82 : vector<4096x256xi32>
    %convert_element_type3A_83 = arith.extui %eq3A : vector<4096x256xi1> to vector<4096x256xi32>
    %convert_element_type3A_84 = arith.sitofp %convert_element_type3A_83 : vector<4096x256xi32> to vector<4096x256xf32>
    %convert_element_type3A_85 = arith.truncf %convert_element_type3A_84 : vector<4096x256xf32> to vector<4096x256xbf16>
    %mul3A_86 = arith.mulf %exp3A, %add3A_58 : vector<256x4096xf32>
    %convert_element_type3A_87 = arith.truncf %mul3A_86 : vector<256x4096xf32> to vector<256x4096xbf16>
    %dot_general3A_88 = arith.constant dense<0.000000e+00> : vector<256x256xf32>
    %dot_general3A_89 = tpu.matmul %convert_element_type3A_87, %convert_element_type3A_85, %dot_general3A_88 {dimension_numbers = #tpu.dot_dimension_numbers<[1], [0], [0], [1], [0, 0, 1, 1], [], []>, transpose_lhs_hint = false} : vector<256x4096xbf16>, vector<4096x256xbf16>, vector<256x256xf32> -> vector<256x256xf32>
    %convert_element_type3A_90 = arith.truncf %exp3A : vector<256x4096xf32> to vector<256x4096xbf16>
    %dot_general3A_91 = arith.constant dense<0.000000e+00> : vector<256x256xf32>
    %dot_general3A_92 = tpu.matmul %convert_element_type3A_90, %convert_element_type3A_85, %dot_general3A_91 {dimension_numbers = #tpu.dot_dimension_numbers<[1], [0], [0], [1], [0, 0, 1, 1], [], []>, transpose_lhs_hint = false} : vector<256x4096xbf16>, vector<4096x256xbf16>, vector<256x256xf32> -> vector<256x256xf32>
    %div3A_93 = arith.divf %dot_general3A_89, %dot_general3A_92 : vector<256x256xf32>
    %get3A_94 = arith.constant 0 : index
    %get3A_95 = arith.constant 0 : index
    %get3A_96 = vector.load %arg13[%get3A_94, %get3A_95] : memref<256x256xf32, #tpu.memory_space<vmem>>, vector<256x256xf32>
    %dot_general3A_97 = arith.constant dense<0.000000e+00> : vector<256x256xf32>
    %dot_general3A_98 = tpu.matmul %get3A_96, %div3A_93, %dot_general3A_97 {dimension_numbers = #tpu.dot_dimension_numbers<[1], [0], [0], [1], [0, 0, 1, 1], [], []>, precision = #tpu.contract_precision<fp32>, transpose_lhs_hint = false} : vector<256x256xf32>, vector<256x256xf32>, vector<256x256xf32> -> vector<256x256xf32>
    %get3A_99 = arith.constant 0 : index
    %get3A_100 = arith.constant 0 : index
    %get3A_101 = vector.load %arg14[%get3A_99, %get3A_100] : memref<256x1xf32, #tpu.memory_space<vmem>>, vector<256x1xf32>
    %add3A_102 = vector.broadcast %get3A_101 : vector<256x1xf32> to vector<256x256xf32>
    %add3A_103 = arith.addf %dot_general3A_98, %add3A_102 : vector<256x256xf32>
    %swap3A = arith.constant 0 : index
    %swap3A_104 = arith.constant 0 : index
    %swap3A_105 = arith.constant 0 : index
    %swap3A_106 = vector.load %arg15[%swap3A, %swap3A_104, %swap3A_105] : memref<1x256x256xf32, #tpu.memory_space<vmem>>, vector<1x256x256xf32>
    %swap3A_107 = vector.shape_cast %swap3A_106 : vector<1x256x256xf32> to vector<256x256xf32>
    %swap3A_108 = vector.shape_cast %add3A_103 : vector<256x256xf32> to vector<1x256x256xf32>
    tpu.vector_store %arg15[%swap3A, %swap3A_104, %swap3A_105], %swap3A_108 {strides = array<i32>} : memref<1x256x256xf32, #tpu.memory_space<vmem>>, vector<1x256x256xf32>,
    return
  }
  func.func @transform_0(%arg0: i32, %arg1: i32) -> (i32, i32, i32) {
    %c0_i32 = arith.constant 0 : i32
    %c0_i32_0 = arith.constant 0 : i32
    return %arg0, %c0_i32, %arg1 : i32, i32, i32
  }
  func.func @transform_1(%arg0: i32, %arg1: i32) -> (i32, i32, i32) {
    %c0_i32 = arith.constant 0 : i32
    %c0_i32_0 = arith.constant 0 : i32
    return %arg0, %c0_i32, %arg1 : i32, i32, i32
  }
  func.func @transform_2(%arg0: i32, %arg1: i32) -> (i32, i32, i32) {
    %c0_i32 = arith.constant 0 : i32
    %c0_i32_0 = arith.constant 0 : i32
    return %arg0, %c0_i32, %arg1 : i32, i32, i32
  }
  func.func @transform_3(%arg0: i32, %arg1: i32) -> (i32, i32) {
    %c0_i32 = arith.constant 0 : i32
    %c0_i32_0 = arith.constant 0 : i32
    %c0_i32_1 = arith.constant 0 : i32
    return %c0_i32, %c0_i32_0 : i32, i32
  }
  func.func @transform_4(%arg0: i32, %arg1: i32) -> (i32, i32) {
    %c0_i32 = arith.constant 0 : i32
    %c0_i32_0 = arith.constant 0 : i32
    %c0_i32_1 = arith.constant 0 : i32
    return %c0_i32, %c0_i32_0 : i32, i32
  }
  func.func @transform_5(%arg0: i32, %arg1: i32) -> (i32, i32) {
    %c0_i32 = arith.constant 0 : i32
    %c0_i32_0 = arith.constant 0 : i32
    %c0_i32_1 = arith.constant 0 : i32
    return %c0_i32, %c0_i32_0 : i32, i32
  }
  func.func @transform_6(%arg0: i32, %arg1: i32) -> (i32, i32) {
    %c0_i32 = arith.constant 0 : i32
    %c0_i32_0 = arith.constant 0 : i32
    %c0_i32_1 = arith.constant 0 : i32
    return %c0_i32, %c0_i32_0 : i32, i32
  }
  func.func @transform_7(%arg0: i32, %arg1: i32) -> (i32, i32) {
    %c0_i32 = arith.constant 0 : i32
    %c0_i32_0 = arith.constant 0 : i32
    %c0_i32_1 = arith.constant 0 : i32
    return %c0_i32, %c0_i32_0 : i32, i32
  }
  func.func @transform_8(%arg0: i32, %arg1: i32) -> (i32, i32) {
    %c0_i32 = arith.constant 0 : i32
    %c0_i32_0 = arith.constant 0 : i32
    %c0_i32_1 = arith.constant 0 : i32
    return %c0_i32, %c0_i32_0 : i32, i32
  }
  func.func @transform_9(%arg0: i32, %arg1: i32) -> (i32, i32) {
    %c0_i32 = arith.constant 0 : i32
    %c0_i32_0 = arith.constant 0 : i32
    %c0_i32_1 = arith.constant 0 : i32
    return %c0_i32, %c0_i32_0 : i32, i32
  }
  func.func @transform_10(%arg0: i32, %arg1: i32) -> (i32, i32) {
    %c0_i32 = arith.constant 0 : i32
    %c0_i32_0 = arith.constant 0 : i32
    %c0_i32_1 = arith.constant 0 : i32
    return %c0_i32, %c0_i32_0 : i32, i32
  }
  func.func @transform_11(%arg0: i32, %arg1: i32) -> (i32, i32) {
    %c0_i32 = arith.constant 0 : i32
    %c0_i32_0 = arith.constant 0 : i32
    %c0_i32_1 = arith.constant 0 : i32
    return %c0_i32, %c0_i32_0 : i32, i32
  }
  func.func @transform_12(%arg0: i32, %arg1: i32) -> (i32, i32) {
    %c0_i32 = arith.constant 0 : i32
    %c0_i32_0 = arith.constant 0 : i32
    %c0_i32_1 = arith.constant 0 : i32
    return %c0_i32, %c0_i32_0 : i32, i32
  }
  func.func @transform_13(%arg0: i32, %arg1: i32) -> (i32, i32, i32) {
    %c0_i32 = arith.constant 0 : i32
    %c0_i32_0 = arith.constant 0 : i32
    return %arg0, %c0_i32, %arg1 : i32, i32, i32
  }
}

</mosaic_0001>

<sc_bundles>
// kernel: kernel.8.cloned.1.call-start
scs
__scs_entry_jumppad:
0x0: {  	(pc) =	sbr.rel $0x88, $3  }
0x1: {  	(tag) =	ssettag $0x0;
	lr =	simm.s32 $0x1  }
0x2: {  	[smem:$0x3F8A] =	sst lr;
	_ =	strace $0xD0000000  }
0x3: {  	_ = 	snop  }
0x4: {  	_ = 	snop  }
0x5: {  	_ = 	snop  }
0x6: {  	_ = 	snop  }
0x7: {  	_ = 	snop  }
__scs_overlays_trampoline_lowered:
0x8: {  	[smem:$0x3F99] =	sst s0  }
0x9: {  	[smem:$0x3F9A] =	sst s1  }
0xa: {  	[smem:$0x3F9B] =	sst s2  }
0xb: {  	[smem:$0x3F9C] =	sst s3  }
0xc: {  	[smem:$0x3F9D] =	sst s4  }
0xd: {  	[smem:$0x3F9E] =	sst s5  }
0xe: {  	[smem:$0x3F9F] =	sst s6  }
0xf: {  	[smem:$0x3FA0] =	sst s7  }
0x10: {  	[smem:$0x3FA1] =	sst s8  }
0x11: {  	[smem:$0x3FA2] =	sst s9;
	s0 =	simm.s32 @!p0 $0x0  }
0x12: {  	s1 =	sld [smem:$0x3F88];
	s0 =	simm.s32 @p0 $0x1  }
0x13: {  	[smem:$0x3FA3] =	sst s0;
	s0 =	simm.s32 @!p1 $0x0  }
0x14: {  	s2 =	sld [smem:$0x3F87];
	s0 =	simm.s32 @p1 $0x1  }
0x15: {  	[smem:$0x3FA4] =	sst s0;
	s0 =	simm.s32 @!p2 $0x0  }
0x16: {  	s3 =	sld [smem:$0x3FDB];
	s0 =	simm.s32 @p2 $0x1  }
0x17: {  	s4 =	simm.s32 $0x1BF5;
	[smem:$0x3FA6] =	sst s0  }
0x18: {  	s0 =	sld [smem:$0x3F89];
	_ =	swait.ge [sflag:s4], $0x0  }
0x19: {  	s7 =	sld [smem:$0x3F8A]  }
0x1a: {  	s8 =	sadd.s32 $0xFFFFE003, lr  }
0x1b: {  	s9 =	sadd.s32 $0xFFFFFEF7, lr;
	s5 =	simm.s32 $0xFFFFFFFF;
	p2 =	slt.u32 s8, $0xFFFFF086  }
0x1c: {  	p1 =	slt.u32 s9, $0xF7A;
	s5 =	simm.s32 @!p2 $0x0  }
0x1d: {  	s5 =	simm.s32 @p1 $0x1;
	p0 =	seq.s32 s7, s2  }
0x1e: {  	s7 =	smul.u32 @!p0 $0xF7A, s2;
	p2 =	seq.s32 @!p0 s5, $0x0  }
0x1f: {  	s9 =	smul.u32 $0xF7A, s1;
	s8 =	simm.s32 @!p0 $0x1BF5;
	p2 =	por !p2, p0  }
0x20: {  	[sflag:s8] =	ssyncset.s32 @!p0 $0xFFFFF086;
	s6 =	sadd.s32 @!p0 s3, s7;
	s7 =	simm.s32 @!p0 $0x108  }
0x21: {  	s3 =	sadd.s32 s3, s9;
	s6 =	sadd.s32 @!p0 $0x88, s6;
	s7 =	simm.s32 @p2 $0x1082  }
0x22: {  	[simem:s7], [sflag:s8] =	dma.local @!p0 [hbm:s6], $0xF7A  }
0x23: {  	s9 =	sor.u32 $0xD0000000, s2;
	s6 =	simm.s32 $0x108;
	_ =	swait.ge @!p0 [sflag:s8], $0x0  }
0x24: {  	s3 =	sadd.s32 $0x88, s3;
	s6 =	simm.s32 @!p1 $0x1082;
	[sflag:s4] =	ssyncset.s32 $0xFFFFF086  }
0x25: {  	[simem:s6], [sflag:s4] =	dma.local [hbm:s3], $0xF7A  }
0x26: {  	[smem:$0x3F8A] =	sst s1;
	(tag) =	ssettag s2;
	_ =	strace s9  }
0x27: {  	s1 =	sld [smem:$0x3F9A]  }
0x28: {  	s2 =	sld [smem:$0x3F9B]  }
0x29: {  	s4 =	sld [smem:$0x3F9D]  }
0x2a: {  	p0 =	seq.s32 s5, $0x0;
	s5 =	sld [smem:$0x3F9E]  }
0x2b: {  	s6 =	sld [smem:$0x3F9F]  }
0x2c: {  	s7 =	sld [smem:$0x3FA0]  }
0x2d: {  	s3 =	simm.s32 $0x108;
	s8 =	sld [smem:$0x3FA1]  }
0x2e: {  	s3 =	simm.s32 @!p0 $0x1082;
	s9 =	sld [smem:$0x3FA2]  }
0x2f: {  	lr =	sadd.s32 s0, s3;
	s0 =	sld [smem:$0x3F99]  }
0x30: {  	s3 =	sld [smem:$0x3F9C]  }
0x31: {  	[smem:$0x3FA5] =	sst s10  }
0x32: {  	s10 =	sld [smem:$0x3FA3];
	_ =	sdelay $0x3  }
0x33: {  	p0 =	seq.s32 s10, $0x1;
	s10 =	sld [smem:$0x3FA5];
	_ =	sdelay $0x3  }
0x34: {  	[smem:$0x3FA5] =	sst s10  }
0x35: {  	s10 =	sld [smem:$0x3FA4];
	_ =	sdelay $0x3  }
0x36: {  	p1 =	seq.s32 s10, $0x1;
	s10 =	sld [smem:$0x3FA5];
	_ =	sdelay $0x3  }
0x37: {  	[smem:$0x3FA5] =	sst s10  }
0x38: {  	s10 =	sld [smem:$0x3FA6]  }
0x39: {  	_ = 	snop;
	(pc) =	sbr.ind lr, $3  }
0x3a: {  	_ = 	snop  }
0x3b: {  	_ = 	snop  }
0x3c: {  	p2 =	seq.s32 s10, $0x1;
	s10 =	sld [smem:$0x3FA5]  }
0x3d: {  	_ =	shalt  }
0x3e: {  	_ =	shalt  }
0x3f: {  	_ =	shalt  }
0x40: {  	_ =	shalt  }
0x41: {  	_ =	shalt  }
0x42: {  	_ =	shalt  }
0x43: {  	_ =	shalt  }
0x44: {  	_ =	shalt  }
0x45: {  	_ =	shalt  }
0x46: {  	_ =	shalt  }
0x47: {  	_ =	shalt  }
0x48: {  	_ =	shalt  }
0x49: {  	_ =	shalt  }
0x4a: {  	_ =	shalt  }
0x4b: {  	_ =	shalt  }
0x4c: {  	_ =	shalt  }
0x4d: {  	_ =	shalt  }
0x4e: {  	_ =	shalt  }
0x4f: {  	_ =	shalt  }
0x50: {  	_ =	shalt  }
0x51: {  	_ =	shalt  }
0x52: {  	_ =	shalt  }
0x53: {  	_ =	shalt  }
0x54: {  	_ =	shalt  }
0x55: {  	_ =	shalt  }
0x56: {  	_ =	shalt  }
0x57: {  	_ =	shalt  }
0x58: {  	_ =	shalt  }
0x59: {  	_ =	shalt  }
0x5a: {  	_ =	shalt  }
0x5b: {  	_ =	shalt  }
0x5c: {  	_ =	shalt  }
0x5d: {  	_ =	shalt  }
0x5e: {  	_ =	shalt  }
0x5f: {  	_ =	shalt  }
0x60: {  	_ =	shalt  }
0x61: {  	_ =	shalt  }
0x62: {  	_ =	shalt  }
0x63: {  	_ =	shalt  }
0x64: {  	_ =	shalt  }
0x65: {  	_ =	shalt  }
0x66: {  	_ =	shalt  }
0x67: {  	_ =	shalt  }
0x68: {  	_ =	shalt  }
0x69: {  	_ =	shalt  }
0x6a: {  	_ =	shalt  }
0x6b: {  	_ =	shalt  }
0x6c: {  	_ =	shalt  }
0x6d: {  	_ =	shalt  }
0x6e: {  	_ =	shalt  }
0x6f: {  	_ =	shalt  }
0x70: {  	_ =	shalt  }
0x71: {  	_ =	shalt  }
0x72: {  	_ =	shalt  }
0x73: {  	_ =	shalt  }
0x74: {  	_ =	shalt  }
0x75: {  	_ =	shalt  }
0x76: {  	_ =	shalt  }
0x77: {  	_ =	shalt  }
0x78: {  	_ =	shalt  }
0x79: {  	_ =	shalt  }
0x7a: {  	_ =	shalt  }
0x7b: {  	_ =	shalt  }
0x7c: {  	_ =	shalt  }
0x7d: {  	_ =	shalt  }
0x7e: {  	_ =	shalt  }
0x7f: {  	_ =	shalt  }
0x80: {  	_ =	shalt  }
0x81: {  	_ =	shalt  }
0x82: {  	_ =	shalt  }
0x83: {  	_ =	shalt  }
0x84: {  	_ =	shalt  }
0x85: {  	_ =	shalt  }
0x86: {  	_ =	shalt  }
0x87: {  	_ =	shalt  }
.Lfunc_end0:
.L_simem_size_0:
called_computation_lowered:
.L_overlay_start_0:
0x88: {  	s2 =	sld [smem:$0x3FD9]  }
0x89: {  	s3 =	sld [smem:$0x3FFE];
	_ =	sdelay $0x1  }
0x8a: {  	s1 =	srdreg.scid  }
0x8b: {  	s0 =	sand.u32 $0x1, s1  }
0x8c: {  	s17 =	sshll.u32 s0, $0xA;
	s2 =	sadd.s32 s3, s2  }
0x8d: {  	s2 =	sadd.s32 s2, s17  }
0x8e: {  	[smem:$0x3FB1] =	sst s2  }
0x8f: {  	_ = 	snop  }
0x90: {  	s2 =	sld [smem:$0x3FD0];
	(tm) =	ssettm $0x1  }
0x91: {  	s18 =	sld [smem:$0x3FFB];
	_ =	sdelay $0x3  }
0x92: {  	_ =	strace s18  }
0x93: {  	s3 =	sld [smem:$0x3FFC];
	_ =	sdelay $0x3  }
0x94: {  	_ =	strace s3  }
0x95: {  	s3 =	sld [smem:$0x3FFD];
	_ =	sdelay $0x3  }
0x96: {  	_ =	strace s3  }
0x97: {  	_ =	strace $0x8FFFFFFF  }
0x98: {  	s19 =	sld [smem:$0x3FDB];
	_ =	sdelay $0x1  }
0x99: {  	s4 =	simm.s32 $_scs_section_size  }
0x9a: {  	s5 =	simm.s32 $_size__tile_overlayer_lowered;
	s6 =	simm.s32 $_tile_overlayer_lowered  }
0x9b: {  	s22 =	simm.s32 $0x1BFF;
	s21 =	sshll.u32 s6, $0x1;
	s3 =	sadd.s32 s4, s19  }
0x9c: {  	s7 =	simm.s32 $0x0;
	s20 =	sshll.u32 s5, $0x1;
	s5 =	sadd.s32 s21, s3  }
0x9d: {  	[timem:s7], [sflag:s22] =	dma.local [hbm:s5], s20  }
0x9e: {  	_ =	swait.ge [sflag:s22], s20  }
0x9f: {  	s4 =	ssub.s32 $0x0, s20;
	[sflag:s22] =	ssyncset.done $0x0  }
0xa0: {  	[sflag:s22] =	ssyncadd.s32 s4;
	_ =	sdelay $0x1  }
0xa1: {  	s23 =	simm.s32 $0x1B8B  }
0xa2: {  	_ =	swait.ge [sflag:s23], $0x1  }
0xa3: {  	[sflag:s23] =	ssyncset.done $0x0  }
0xa4: {  	s25 =	simm.s32 $0x1B8E;
	s24 =	sld [smem:$0x3FFE];
	[sflag:s23] =	ssyncadd.s32 $0xFFFFFFFF  }
0xa5: {  	s26 =	simm.s32 $execute0_lowered;
	[smem:$0x3FD2] =	sst s25  }
0xa6: {  	s5 =	sshll.u32 s26, $0x1;
	_ =	strace $0x80000046;
	[dreg:$0x1] =	wrdreg $0xFFFFFFFF  }
0xa7: {  	s28 =	simm.s32 $_size_execute0_lowered;
	s3 =	sadd.s32 s3, s5;
	[dreg:$0x0] =	wrdreg $0x0  }
0xa8: {  	s5 =	sshll.u32 s28, $0x1;
	[dreg:$0x2] =	wrdreg s3  }
0xa9: {  	[dreg:$0x3] =	wrdreg s5  }
0xaa: {  	[dreg:$0x4] =	wrdreg $0xC0  }
0xab: {  	_ =	task [dreg:s7], $0x5FFFF  }
0xac: {  	[dreg:$0x1] =	wrdreg $0xFFFFFFFF  }
0xad: {  	[dreg:$0x0] =	wrdreg $0x60  }
0xae: {  	[dreg:$0x2] =	wrdreg s24  }
0xaf: {  	[dreg:$0x3] =	wrdreg s2  }
0xb0: {  	[dreg:$0x4] =	wrdreg $0x9  }
0xb1: {  	_ =	task.clear_ibuf [dreg:s7], $0x5FFFF;
	_ =	strace $0x90000046  }
0xb2: {  	s29 =	simm.s32 $0x9;
	_ =	strace $0x80000048  }
0xb3: {  	_ =	swait.ge [sflag:s29], $0x1  }
0xb4: {  	[sflag:s29] =	ssyncadd.s32 $0xFFFFFFFF  }
0xb5: {  	_ =	strace $0x90000048  }
0xb6: {  	_ =	sfence  }
0xb7: {  	s30 =	sld [smem:$0x0];
	_ =	sdelay $0x2  }
0xb8: {  	s31 =	sshll.u32 s1, $0xD;
	s1 =	sshrl.u32 s1, $0x2  }
0xb9: {  	s3 =	sand.u32 $0x4000, s31;
	s1 =	sadd.s32 s1, s30  }
0xba: {  	s0 =	sor.u32 s3, s0;
	s1 =	sshll.u32 s1, $0x11  }
0xbb: {  	s0 =	sor.u32 s1, s0  }
0xbc: {  	s0 =	sadd.s32 $0x8F2B, s0  }
0xbd: {  	[sflag:s0] =	ssyncadd.remote.s32 $0x1  }
0xbe: {  	_ =	sfence.sel $0xFFFF  }
0xbf: {  	[dreg:$0x0] =	wrdreg $0xFFFFFFFF;
	(pc) =	sbr.abs _section_cstart, $3  }
0xc0: {  	[dreg:$0x1] =	wrdreg $0xFFFFFFFF  }
0xc1: {  	_ =	task.clear_ibuf [dreg:s7], $0x2FFFF;
	_ =	strace $0x9FFFFFFF  }
0xc2: {  	(tm) =	ssettm $0x7FFFFFFF  }
0xc3: {  	_ =	shalt  }
tec
execute0_lowered:
.L_overlay_start_1:
0x0: {  	(tag) =	ssettag $0x1  }
0x1: {  	s4 =	rddreg [dreg:$0x0]  }
0x2: {  	s5 =	rddreg [dreg:$0x1]  }
0x3: {  	s0 =	rddreg [dreg:$0x2];
	s3 =	srdreg.scid  }
0x4: {  	s2 =	simm.s32 $0x0;
	s1 =	stileid.u32;
	s10 =	simm.s32 $0x3000  }
0x5: {  	s11 =	simm.s32 $0x3800;
	s12 =	simm.s32 $0x4000;
	s13 =	simm.s32 $0x4800  }
0x6: {  	s14 =	simm.s32 $0x0;
	s3 =	sand.u32 $0x1, s3;
	[smem:$0x7FF] =	sst s2  }
0x7: {  	s6 =	sshll.u32 s1, $0x9;
	s7 =	sshll.u32 s3, $0x8;
	s30 =	ssub.s32 $0x2, s3  }
0x8: {  	_ =	strace $0x80000047;
	s6 =	sor.u32 s7, s6;
	s31 =	sshrl.u32 s30, $0x1  }
0x9: {  	s3 =	sadd.s32 $0x3C00, s4;
	s8 =	sadd.s32 s6, s4;
	s9 =	ssub.s32 s30, s31  }
0xa: {  	s4 =	sadd.s32 s5, s6;
	s5 =	sadd.s32 $0x4200, s8;
	s6 =	sadd.s32 $0x6200, s8  }
0xb: {  	s7 =	sadd.s32 $0x8200, s8;
	s8 =	smax.u32 s9, $0x1;
	s9 =	simm.s32 $0x1  }
.LBB2_1:
0xc: {  	[tilespmem:s2], [sflag:$0x1] =	stream.linear.gather [hbm4b:s3+s2], $0x3000, $0x38;
	[tilespmem:$0x5000] =	vst v63  }
0xd: {  	_ =	swait.ge [sflag:s9], $0x3000  }
0xe: {  	[sflag:s9] =	ssyncset.done $0x0  }
0xf: {  	[sflag:s9] =	ssyncadd.s32 $0xFFFFD000  }
0x10: {  	[tilespmem:s10], [sflag:$0x1] =	stream.linear.gather [hbm4b:s4+s2], $0x800, $0x38;
	[tilespmem:$0x5000] =	vst v63  }
0x11: {  	_ =	swait.ge [sflag:s9], $0x800  }
0x12: {  	[sflag:s9] =	ssyncset.done $0x0  }
0x13: {  	s15 =	simm.s32 $0x0;
	[sflag:s9] =	ssyncadd.s32 $0xFFFFF800  }
0x14: {  	v1 =	vld [tilespmem:s15+$0x3000];
	_ =	sdelay $0x7  }
0x15: {  	v0 =	vld.idx.msk [tilespmem:v1+s2+$0x0], $0xffff  }
0x16: {  	v2 =	vadd.s32 $0x1000, v1;
	_ =	sdelay $0x3  }
0x17: {  	[tilespmem:s15+$0x3800] =	vst v0  }
0x18: {  	v0 =	vld.idx.msk [tilespmem:v2+s2+$0x0], $0xffff  }
0x19: {  	v1 =	vadd.s32 $0x2000, v1;
	_ =	sdelay $0x2  }
0x1a: {  	s17 =	simm.s32 $0x10;
	s16 =	simm.s32 $0x80  }
.LBB2_2:
0x1b: {  	p0 =	sne.s32 s16, $0x1FC0;
	v2 =	vld [tilespmem:s17+$0x3000];
	[tilespmem:s15+$0x4000] =	vst v0  }
0x1c: {  	v0 =	vld.idx.msk [tilespmem:v1+s2+$0x0], $0xffff;
	_ =	sdelay $0x5  }
0x1d: {  	[tilespmem:s15+$0x4800] =	vst v0;
	s15 =	smov.u32 s17  }
0x1e: {  	v0 =	vld.idx.msk [tilespmem:v2+s2+$0x0], $0xffff;
	_ =	sdelay $0x1  }
0x1f: {  	v1 =	vadd.s32 $0x1000, v2;
	_ =	sdelay $0x3  }
0x20: {  	[tilespmem:s15+$0x3800] =	vst v0  }
0x21: {  	v0 =	vld.idx.msk [tilespmem:v1+s2+$0x0], $0xffff  }
.Ltmp0:
0x22: {  	(pc) =	sbr.rel @p0 .LBB2_2-.Ltmp0, $2  }
0x23: {  	v1 =	vadd.s32 $0x2000, v2;
	_ =	sdelay $0x2  }
0x24: {  	s17 =	sshra.s32 s16, $0x2;
	s16 =	sadd.s32 $0x40, s16  }
0x25: {  	_ =	sdelay $0x1  }
0x26: {  	v2 =	vld [tilespmem:s17+$0x3000]  }
0x27: {  	[tilespmem:s15+$0x4000] =	vst v0  }
0x28: {  	v0 =	vld.idx.msk [tilespmem:v1+s2+$0x0], $0xffff;
	_ =	sdelay $0x4  }
0x29: {  	[tilespmem:s15+$0x4800] =	vst v0  }
0x2a: {  	v0 =	vld.idx.msk [tilespmem:v2+s2+$0x0], $0xffff  }
0x2b: {  	v62 =	vadd.s32 $0x1000, v2;
	_ =	sdelay $0x3  }
0x2c: {  	[tilespmem:s17+$0x3800] =	vst v0  }
0x2d: {  	v0 =	vld.idx.msk [tilespmem:v62+s2+$0x0], $0xffff  }
0x2e: {  	v63 =	vadd.s32 $0x2000, v2;
	_ =	sdelay $0x3  }
0x2f: {  	[tilespmem:s17+$0x4000] =	vst v0  }
0x30: {  	v0 =	vld.idx.msk [tilespmem:v63+s2+$0x0], $0xffff;
	_ =	sdelay $0x4  }
0x31: {  	[tilespmem:s17+$0x4800] =	vst v0  }
0x32: {  	[hbm4b:s5+s2] =	stream.linear.scatter [tilespmem:s11], [sflag:$0x1], $0x800, $0x38;
	[tilespmem:$0x5000] =	vst v63  }
0x33: {  	_ =	swait.ge [sflag:s9], $0x800  }
0x34: {  	[sflag:s9] =	ssyncset.done $0x0  }
0x35: {  	[sflag:s9] =	ssyncadd.s32 $0xFFFFF800  }
0x36: {  	[hbm4b:s6+s2] =	stream.linear.scatter [tilespmem:s12], [sflag:$0x1], $0x800, $0x38;
	[tilespmem:$0x5000] =	vst v63  }
0x37: {  	s14 =	sadd.s32 $0x1, s14;
	_ =	swait.ge [sflag:s9], $0x800  }
0x38: {  	p0 =	sne.s32 s14, s8;
	[sflag:s9] =	ssyncset.done $0x0  }
.Ltmp1:
0x39: {  	[sflag:s9] =	ssyncadd.s32 $0xFFFFF800;
	(pc) =	sbr.rel @p0 .LBB2_1-.Ltmp1, $4  }
0x3a: {  	[hbm4b:s7+s2] =	stream.linear.scatter [tilespmem:s13], [sflag:$0x1], $0x800, $0x38;
	[tilespmem:$0x5000] =	vst v63  }
0x3b: {  	_ =	swait.ge [sflag:s9], $0x800  }
0x3c: {  	[sflag:s9] =	ssyncset.done $0x0  }
0x3d: {  	[sflag:s9] =	ssyncadd.s32 $0xFFFFF800  }
0x3e: {  	_ =	sfence.sel $0x180000  }
0x3f: {  	[bflag:$0x0] =	sbarrier.arrive $0xFFFF  }
0x40: {  	p0 =	sne.s32 s1, $0x0;
	_ =	strace $0x90000047  }
0x41: {  	s0 =	sadd.s32 @!p0 $0x100000, s0;
	[bflag:$0x2] =	sbarrier.arrive $0xFFFF  }
0x42: {  	[sflag:s0] =	ssyncadd.tile.s32 @!p0 $0x1;
	_ =	shalt  }
.Lfunc_end2:
_tile_overlayer_lowered:
.L_overlay_start_2:
0x43: {  	(tag) =	ssettag $0x2  }
0x44: {  	s0 =	rddreg [dreg:$0x0];
	s2 =	stileid.u32  }
0x45: {  	s1 =	rddreg [dreg:$0x1];
	p0 =	sne.s32 s2, $0x0  }
0x46: {  	s3 =	rddreg [dreg:$0x2];
	[bflag:$0x3] =	sbarrier.arrive $0xFFFF;
	s2 =	simm.s32 @!p0 $0x1C01  }
0x47: {  	[timem:s3], [sflag:s2] =	dma.local @!p0 [hbm:s0], s1  }
0x48: {  	s0 =	simm.s32 @!p0 $0x1  }
0x49: {  	_ =	swait.ge @!p0 [sflag:s0], s1  }
0x4a: {  	s1 =	ssub.s32 @!p0 $0x0, s1;
	[sflag:s0] =	ssyncset.done @!p0 $0x0  }
0x4b: {  	[sflag:s0] =	ssyncadd.s32 @!p0 s1  }
0x4c: {  	[bflag:$0x3] =	sbarrier.arrive $0xFFFF  }
0x4d: {  	_ =	shalt  }

</sc_bundles>
